<compile_context>
chip_gen: v7x
topology: tpu7x:2x2x1
jax: 0.10.2.dev20260603
libtpu: 0.0.44.dev20260713+nightly
codegen_flags: <defaults>
</compile_context>

<pallas_src>
import functools
import jax
import jax.numpy as jnp
from jax import lax
from jax.experimental import pallas as pl
from jax.experimental.pallas import tpu as pltpu
from jax.experimental.pallas import tpu_sc as plsc

N = 10000
NP = 10240
E = 320000
D = 128
DH = 64
H = 256
C = 5
CP = 16

NC = 2
NS = 16
NW = NC * NS
K = 80
NB = 4
NCH1 = E // (NS * K)
NCH2 = E // (NW * K)
RPT = NP // NS


def _sc_agg1(xh, src3, dst3, zeros_init):
    mesh = plsc.VectorSubcoreMesh(core_axis_name="c", subcore_axis_name="s")

    @functools.partial(
        pl.kernel,
        mesh=mesh,
        out_type=jax.ShapeDtypeStruct((NC, NP, DH), jnp.float32),
        scratch_types=[
            pltpu.VMEM((NCH1 + NB - 1, K), jnp.int32),
            pltpu.VMEM((NCH1, K), jnp.int32),
            pltpu.VMEM((NB * K, DH), jnp.float32),
            pltpu.VMEM_SHARED((NP, DH), jnp.float32),
            pltpu.SemaphoreType.DMA(()),
            pltpu.SemaphoreType.DMA(()),
        ],
        compiler_params=pltpu.CompilerParams(use_tc_tiling_on_sc=False),
    )
    def k(xh_hbm, src_hbm, dst_hbm, init_hbm, out_hbm, src_v, dst_v, big,
          acc, gsem, ssem):
        cid = lax.axis_index("c")
        sid = lax.axis_index("s")

        def slot(i):
            return big.at[pl.ds((i % NB) * K, K)]

        def g_desc(i):
            return pltpu.make_async_copy(xh_hbm.at[cid].at[src_v.at[i]],
                                         slot(i), gsem)

        def s_desc(i):
            return pltpu.make_async_copy(slot(i), acc.at[dst_v.at[i]], ssem)

        rows = pl.ds(sid * RPT, RPT)
        pltpu.sync_copy(init_hbm.at[rows], acc.at[rows])
        pltpu.sync_copy(src_hbm.at[sid], src_v)
        pltpu.sync_copy(dst_hbm.at[sid], dst_v)
        plsc.subcore_barrier()

        def fire(i, carry):
            g_desc(i).start()
            return carry

        lax.fori_loop(0, NB - 1, fire, 0)

        def body(i, carry):
            g_desc(i).wait()
            s_desc(i).start(add=True)

            @pl.when(i >= 1)
            def _():
                s_desc(i).wait()

            g_desc(i + NB - 1).start()
            return carry

        lax.fori_loop(0, NCH1, body, 0)
        s_desc(NCH1 - 1).wait()

        def drain(i, carry):
            g_desc(i).wait()
            return carry

        lax.fori_loop(NCH1, NCH1 + NB - 1, drain, 0)
        plsc.subcore_barrier()
        pltpu.sync_copy(acc.at[rows], out_hbm.at[cid].at[rows])

    return k(xh, src3, dst3, zeros_init)


def _sc_agg2(q, src3, dst3, init2):
    mesh = plsc.VectorSubcoreMesh(core_axis_name="c", subcore_axis_name="s")

    @functools.partial(
        pl.kernel,
        mesh=mesh,
        out_type=jax.ShapeDtypeStruct((NC, NP, CP), jnp.float32),
        scratch_types=[
            pltpu.VMEM((NCH2 + NB - 1, K), jnp.int32),
            pltpu.VMEM((NCH2, K), jnp.int32),
            pltpu.VMEM((NB * K, CP), jnp.float32),
            pltpu.VMEM_SHARED((NP, CP), jnp.float32),
            pltpu.VMEM_SHARED((NP, CP), jnp.float32),
            pltpu.SemaphoreType.DMA(()),
            pltpu.SemaphoreType.DMA(()),
        ],
        compiler_params=pltpu.CompilerParams(use_tc_tiling_on_sc=False),
    )
    def k(q_hbm, src_hbm, dst_hbm, init_hbm, out_hbm, src_v, dst_v, big, acc,
          qs, gsem, ssem):
        cid = lax.axis_index("c")
        sid = lax.axis_index("s")
        wid = sid * NC + cid

        def slot(i):
            return big.at[pl.ds((i % NB) * K, K)]

        def g_desc(i):
            return pltpu.make_async_copy(qs.at[src_v.at[i]], slot(i), gsem)

        def s_desc(i):
            return pltpu.make_async_copy(slot(i), acc.at[dst_v.at[i]], ssem)

        rows = pl.ds(sid * RPT, RPT)
        pltpu.sync_copy(q_hbm.at[rows], qs.at[rows])
        pltpu.sync_copy(init_hbm.at[cid].at[rows], acc.at[rows])
        pltpu.sync_copy(src_hbm.at[wid], src_v)
        pltpu.sync_copy(dst_hbm.at[wid], dst_v)
        plsc.subcore_barrier()

        def fire(i, carry):
            g_desc(i).start()
            return carry

        lax.fori_loop(0, NB - 1, fire, 0)

        def body(i, carry):
            g_desc(i).wait()
            s_desc(i).start(add=True)

            @pl.when(i >= 1)
            def _():
                s_desc(i).wait()

            g_desc(i + NB - 1).start()
            return carry

        lax.fori_loop(0, NCH2, body, 0)
        s_desc(NCH2 - 1).wait()

        def drain(i, carry):
            g_desc(i).wait()
            return carry

        lax.fori_loop(NCH2, NCH2 + NB - 1, drain, 0)
        plsc.subcore_barrier()
        pltpu.sync_copy(acc.at[rows], out_hbm.at[cid].at[rows])

    return k(q, src3, dst3, init2)


def _tc_mlp(partials, W1, b1, W2p):
    BN = 2048

    def body(p_ref, w1_ref, b1_ref, w2_ref, q_ref):
        a = jnp.concatenate([p_ref[0], p_ref[1]], axis=-1)
        h = jnp.dot(a, w1_ref[...], preferred_element_type=jnp.float32)
        h = jnp.maximum(h + b1_ref[...], 0.0)
        q_ref[...] = jnp.dot(h, w2_ref[...], preferred_element_type=jnp.float32)

    return pl.pallas_call(
        body,
        grid=(NP // BN,),
        in_specs=[
            pl.BlockSpec((NC, BN, DH), lambda i: (0, i, 0)),
            pl.BlockSpec((D, H), lambda i: (0, 0)),
            pl.BlockSpec((1, H), lambda i: (0, 0)),
            pl.BlockSpec((H, CP), lambda i: (0, 0)),
        ],
        out_specs=pl.BlockSpec((BN, CP), lambda i: (i, 0)),
        out_shape=jax.ShapeDtypeStruct((NP, CP), jnp.float32),
    )(partials, W1, b1, W2p)


def _tc_combine(partials2):

    def body(p_ref, o_ref):
        o_ref[...] = p_ref[0] + p_ref[1]

    return pl.pallas_call(
        body,
        in_specs=[pl.BlockSpec((NC, NP, CP), lambda: (0, 0, 0))],
        out_specs=pl.BlockSpec((NP, CP), lambda: (0, 0)),
        out_shape=jax.ShapeDtypeStruct((NP, CP), jnp.float32),
    )(partials2)


def _chunked(a, n_tiles, fill, extra):
    nch = E // (n_tiles * K)
    a = a.reshape(n_tiles, nch, K)
    if extra:
        pad = jnp.full((n_tiles, extra, K), fill, jnp.int32)
        a = jnp.concatenate([a, pad], axis=1)
    return a


def kernel(x, edge_index, W1, b1, W2, b2):
    src = edge_index[0]
    dst = edge_index[1]

    xp = jnp.pad(x, ((0, NP - N), (0, 0)))
    xh = jnp.stack([xp[:, :DH], xp[:, DH:]])
    partials = _sc_agg1(xh,
                        _chunked(src, NS, 0, NB - 1),
                        _chunked(dst, NS, 0, 0),
                        jnp.zeros((NP, DH), jnp.float32))

    W2p = jnp.pad(W2, ((0, 0), (0, CP - C)))
    q = _tc_mlp(partials, W1, b1.reshape(1, H), W2p)

    b2row = jnp.pad(b2, (0, CP - C))
    init2 = jnp.stack([jnp.broadcast_to(b2row, (NP, CP)),
                       jnp.zeros((NP, CP), jnp.float32)])
    partials2 = _sc_agg2(q,
                         _chunked(src, NW, 0, NB - 1),
                         _chunked(dst, NW, 0, 0),
                         init2)
    out = _tc_combine(partials2)
    return out[:N, :C]

# --- scband reference (transcript-rebuilt; emitter-appended) ---
"""Pipeline reference for scband-p0-gcn-80942953660917 (READ-ONLY COPY).

The authoritative reference and input builder live on the scoring server;
editing this copy changes nothing except your own understanding.
"""

import jax, jax.numpy as jnp
import numpy as np

N = 10000   # n_nodes
E = 320000  # n_edges
D = 128     # num_features (dataset.num_features stand-in)
H = 256     # hidden_channels
C = 5       # num_classes (WebKB Cornell has 5 classes)


def setup_inputs(seed: int = 0) -> dict:
    key = jax.random.key(seed)
    k1, k2, k3, k4, k5, k6 = jax.random.split(key, 6)
    x = jax.random.normal(k1, (N, D), dtype=jnp.float32)
    edge_index = jax.random.randint(k2, (2, E), 0, N, dtype=jnp.int32)
    # Learned params: two P0 convolutional layers (neighbor-sum aggregation + linear)
    W1 = jax.random.normal(k3, (D, H), dtype=jnp.float32) * (1.0 / np.sqrt(D))
    b1 = jnp.zeros((H,), dtype=jnp.float32)
    W2 = jax.random.normal(k4, (H, C), dtype=jnp.float32) * (1.0 / np.sqrt(H))
    b2 = jnp.zeros((C,), dtype=jnp.float32)
    return {"x": x, "edge_index": edge_index, "W1": W1, "b1": b1, "W2": W2, "b2": b2}


def _conv0p(x, src, dst, W, b):
    # ptens ConvolutionalLayer_0P on 0th-order Ptensors over the graph:
    # gather source-node features along edges, scatter-add (sum) into destination
    # nodes, then apply a learned linear map.
    msg = jnp.take(x, src, axis=0)                      # gather  [E, d]
    agg = jax.ops.segment_sum(msg, dst, num_segments=N)  # scatter-add [N, d]
    return agg @ W + b


def reference(x, edge_index, W1, b1, W2, b2):
    src = edge_index[0]
    dst = edge_index[1]
    h = _conv0p(x, src, dst, W1, b1)
    h = jax.nn.relu(h)
    # dropout (prob=0.6) is identity at inference time
    out = _conv0p(h, src, dst, W2, b2)
    return out

if __name__ == "__main__":
    import jax
    _d = setup_inputs()
    print(jax.jit(kernel)(*tuple(_d.values())))

</pallas_src>

<mosaic_0001>
#map = affine_map<(d0, d1) -> (0, 0, 0)>
#map1 = affine_map<(d0, d1) -> (0, 0)>
module attributes {stable_mosaic.version = 14 : i64} {
  func.func @k(%arg0: i32, %arg1: i32, %arg2: memref<2x10240x64xf32, #tpu.memory_space<hbm>>, %arg3: memref<16x253x80xi32, #tpu.memory_space<hbm>>, %arg4: memref<16x250x80xi32, #tpu.memory_space<hbm>>, %arg5: memref<10240x64xf32, #tpu.memory_space<hbm>>, %arg6: memref<2x10240x64xf32, #tpu.memory_space<hbm>>, %arg7: memref<253x80xi32, #tpu.memory_space<vmem>>, %arg8: memref<250x80xi32, #tpu.memory_space<vmem>>, %arg9: memref<320x64xf32, #tpu.memory_space<vmem>>, %arg10: memref<10240x64xf32, #tpu.memory_space<vmem_shared>>, %arg11: memref<!tpu.dma_semaphore, #tpu.memory_space<semaphore_mem>>, %arg12: memref<!tpu.dma_semaphore, #tpu.memory_space<semaphore_mem>>) attributes {dimension_semantics = [#tpu.dimension_semantics<core_parallel>, #tpu.dimension_semantics<subcore_parallel>], iteration_bounds = array<i64: 2, 16>, scalar_prefetch = 0 : i64, scratch_operands = 6 : i64, tpu.core_type = #tpu.core_type<sc_vector_subcore>, window_params = [{transform_indices = #map}, {transform_indices = #map}, {transform_indices = #map}, {transform_indices = #map1}, {transform_indices = #map}]} {
    %mul3A = arith.constant 640 : i32
    %mul3A_0 = arith.muli %arg1, %mul3A : i32
    "tpu.region"() ({
      %run_scoped3A = tpu.sem_alloc : memref<!tpu.dma_semaphore, #tpu.memory_space<semaphore_mem>>
      %dma_start3A = arith.constant 0 : i32
      %dma_start3A_28 = tpu.memref_slice %arg10[%mul3A_0, %dma_start3A] : memref<10240x64xf32, #tpu.memory_space<vmem_shared>> -> memref<640x64xf32, #tpu.memory_space<vmem_shared>>
      %dma_start3A_29 = arith.constant 0 : i32
      %dma_start3A_30 = tpu.memref_slice %arg5[%mul3A_0, %dma_start3A_29] : memref<10240x64xf32, #tpu.memory_space<hbm>> -> memref<640x64xf32, #tpu.memory_space<hbm>>
      tpu.enqueue_dma source(%dma_start3A_30 : memref<640x64xf32, #tpu.memory_space<hbm>>) target(%dma_start3A_28 : memref<640x64xf32, #tpu.memory_space<vmem_shared>>) target_semaphore(%run_scoped3A : memref<!tpu.dma_semaphore, #tpu.memory_space<semaphore_mem>>)
      %dma_wait3A_31 = arith.constant 0 : i32
      %dma_wait3A_32 = tpu.memref_slice %arg10[%mul3A_0, %dma_wait3A_31] : memref<10240x64xf32, #tpu.memory_space<vmem_shared>> -> memref<640x64xf32, #tpu.memory_space<vmem_shared>>
      %dma_wait3A_33 = arith.constant 0 : i32
      %dma_wait3A_34 = tpu.memref_slice %arg5[%mul3A_0, %dma_wait3A_33] : memref<10240x64xf32, #tpu.memory_space<hbm>> -> memref<640x64xf32, #tpu.memory_space<hbm>>
      tpu.wait_dma2 semaphore(%run_scoped3A : memref<!tpu.dma_semaphore, #tpu.memory_space<semaphore_mem>>) src(%dma_wait3A_34 : memref<640x64xf32, #tpu.memory_space<hbm>>) dst(%dma_wait3A_32 : memref<640x64xf32, #tpu.memory_space<vmem_shared>>)
      tpu.yield
    }) : () -> ()
    "tpu.region"() ({
      %run_scoped3A = tpu.sem_alloc : memref<!tpu.dma_semaphore, #tpu.memory_space<semaphore_mem>>
      %dma_start3A = arith.constant 0 : i32
      %dma_start3A_28 = arith.constant 0 : i32
      %dma_start3A_29 = tpu.memref_slice %arg3[%arg1, %dma_start3A, %dma_start3A_28] : memref<16x253x80xi32, #tpu.memory_space<hbm>> -> memref<1x253x80xi32, #tpu.memory_space<hbm>>
      %dma_start3A_30 = tpu.memref_squeeze %dma_start3A_29 : memref<1x253x80xi32, #tpu.memory_space<hbm>> -> memref<253x80xi32, #tpu.memory_space<hbm>>
      %dma_start3A_31 = arith.constant 0 : i32
      %dma_start3A_32 = arith.constant 0 : i32
      %dma_start3A_33 = tpu.memref_slice %arg3[%arg1, %dma_start3A_31, %dma_start3A_32] : memref<16x253x80xi32, #tpu.memory_space<hbm>> -> memref<1x253x80xi32, #tpu.memory_space<hbm>>
      %dma_start3A_34 = tpu.memref_squeeze %dma_start3A_33 : memref<1x253x80xi32, #tpu.memory_space<hbm>> -> memref<253x80xi32, #tpu.memory_space<hbm>>
      tpu.enqueue_dma source(%dma_start3A_34 : memref<253x80xi32, #tpu.memory_space<hbm>>) target(%arg7 : memref<253x80xi32, #tpu.memory_space<vmem>>) target_semaphore(%run_scoped3A : memref<!tpu.dma_semaphore, #tpu.memory_space<semaphore_mem>>)
      %dma_wait3A_35 = arith.constant 0 : i32
      %dma_wait3A_36 = arith.constant 0 : i32
      %dma_wait3A_37 = tpu.memref_slice %arg3[%arg1, %dma_wait3A_35, %dma_wait3A_36] : memref<16x253x80xi32, #tpu.memory_space<hbm>> -> memref<1x253x80xi32, #tpu.memory_space<hbm>>
      %dma_wait3A_38 = tpu.memref_squeeze %dma_wait3A_37 : memref<1x253x80xi32, #tpu.memory_space<hbm>> -> memref<253x80xi32, #tpu.memory_space<hbm>>
      %dma_wait3A_39 = arith.constant 0 : i32
      %dma_wait3A_40 = arith.constant 0 : i32
      %dma_wait3A_41 = tpu.memref_slice %arg3[%arg1, %dma_wait3A_39, %dma_wait3A_40] : memref<16x253x80xi32, #tpu.memory_space<hbm>> -> memref<1x253x80xi32, #tpu.memory_space<hbm>>
      %dma_wait3A_42 = tpu.memref_squeeze %dma_wait3A_41 : memref<1x253x80xi32, #tpu.memory_space<hbm>> -> memref<253x80xi32, #tpu.memory_space<hbm>>
      tpu.wait_dma2 semaphore(%run_scoped3A : memref<!tpu.dma_semaphore, #tpu.memory_space<semaphore_mem>>) src(%dma_wait3A_42 : memref<253x80xi32, #tpu.memory_space<hbm>>) dst(%arg7 : memref<253x80xi32, #tpu.memory_space<vmem>>)
      tpu.yield
    }) : () -> ()
    "tpu.region"() ({
      %run_scoped3A = tpu.sem_alloc : memref<!tpu.dma_semaphore, #tpu.memory_space<semaphore_mem>>
      %dma_start3A = arith.constant 0 : i32
      %dma_start3A_28 = arith.constant 0 : i32
      %dma_start3A_29 = tpu.memref_slice %arg4[%arg1, %dma_start3A, %dma_start3A_28] : memref<16x250x80xi32, #tpu.memory_space<hbm>> -> memref<1x250x80xi32, #tpu.memory_space<hbm>>
      %dma_start3A_30 = tpu.memref_squeeze %dma_start3A_29 : memref<1x250x80xi32, #tpu.memory_space<hbm>> -> memref<250x80xi32, #tpu.memory_space<hbm>>
      %dma_start3A_31 = arith.constant 0 : i32
      %dma_start3A_32 = arith.constant 0 : i32
      %dma_start3A_33 = tpu.memref_slice %arg4[%arg1, %dma_start3A_31, %dma_start3A_32] : memref<16x250x80xi32, #tpu.memory_space<hbm>> -> memref<1x250x80xi32, #tpu.memory_space<hbm>>
      %dma_start3A_34 = tpu.memref_squeeze %dma_start3A_33 : memref<1x250x80xi32, #tpu.memory_space<hbm>> -> memref<250x80xi32, #tpu.memory_space<hbm>>
      tpu.enqueue_dma source(%dma_start3A_34 : memref<250x80xi32, #tpu.memory_space<hbm>>) target(%arg8 : memref<250x80xi32, #tpu.memory_space<vmem>>) target_semaphore(%run_scoped3A : memref<!tpu.dma_semaphore, #tpu.memory_space<semaphore_mem>>)
      %dma_wait3A_35 = arith.constant 0 : i32
      %dma_wait3A_36 = arith.constant 0 : i32
      %dma_wait3A_37 = tpu.memref_slice %arg4[%arg1, %dma_wait3A_35, %dma_wait3A_36] : memref<16x250x80xi32, #tpu.memory_space<hbm>> -> memref<1x250x80xi32, #tpu.memory_space<hbm>>
      %dma_wait3A_38 = tpu.memref_squeeze %dma_wait3A_37 : memref<1x250x80xi32, #tpu.memory_space<hbm>> -> memref<250x80xi32, #tpu.memory_space<hbm>>
      %dma_wait3A_39 = arith.constant 0 : i32
      %dma_wait3A_40 = arith.constant 0 : i32
      %dma_wait3A_41 = tpu.memref_slice %arg4[%arg1, %dma_wait3A_39, %dma_wait3A_40] : memref<16x250x80xi32, #tpu.memory_space<hbm>> -> memref<1x250x80xi32, #tpu.memory_space<hbm>>
      %dma_wait3A_42 = tpu.memref_squeeze %dma_wait3A_41 : memref<1x250x80xi32, #tpu.memory_space<hbm>> -> memref<250x80xi32, #tpu.memory_space<hbm>>
      tpu.wait_dma2 semaphore(%run_scoped3A : memref<!tpu.dma_semaphore, #tpu.memory_space<semaphore_mem>>) src(%dma_wait3A_42 : memref<250x80xi32, #tpu.memory_space<hbm>>) dst(%arg8 : memref<250x80xi32, #tpu.memory_space<vmem>>)
      tpu.yield
    }) : () -> ()
    %barrier3A = arith.constant 0 : index
    tpu.barrier barrier_id(%barrier3A)
    %scan3A = arith.constant 0 : i32
    %scan3A_1 = arith.constant 0 : i32
    %scan3A_2 = arith.constant 3 : i32
    %scan3A_3 = arith.addi %scan3A_1, %scan3A_2 : i32
    %scan3A_4 = arith.constant 1 : i32
    scf.for %scan3A_28 = %scan3A_1 to %scan3A_3 step %scan3A_4  : i32 {
      %jit3A = arith.constant 4 : i32
      %eq3A = arith.constant 0 : i32
      %eq3A_29 = arith.cmpi eq, %jit3A, %eq3A : i32
      %jit3A_30 = arith.constant 1 : i32
      %select_n3A = arith.select %eq3A_29, %jit3A_30, %jit3A : i32
      %rem3A = arith.remsi %scan3A_28, %select_n3A : i32
      %ne3A = arith.constant 0 : i32
      %ne3A_31 = arith.cmpi ne, %rem3A, %ne3A : i32
      %lt3A = arith.constant 0 : i32
      %lt3A_32 = arith.cmpi slt, %rem3A, %lt3A : i32
      %lt3A_33 = arith.constant 0 : i32
      %lt3A_34 = arith.cmpi slt, %select_n3A, %lt3A_33 : i32
      %ne3A_35 = arith.xori %lt3A_32, %lt3A_34 : i1
      %and3A = arith.andi %ne3A_35, %ne3A_31 : i1
      %add3A = arith.addi %rem3A, %select_n3A : i32
      %select_n3A_36 = arith.select %and3A, %add3A, %rem3A : i32
      %mul3A_37 = arith.constant 80 : i32
      %mul3A_38 = arith.muli %select_n3A_36, %mul3A_37 : i32
      %dma_start3A = arith.constant 0 : i32
      %dma_start3A_39 = tpu.memref_slice %arg9[%mul3A_38, %dma_start3A] : memref<320x64xf32, #tpu.memory_space<vmem>> -> memref<80x64xf32, #tpu.memory_space<vmem>>
      %dma_start3A_40 = arith.constant 0 : i32
      %dma_start3A_41 = tpu.memref_slice %arg7[%scan3A_28, %dma_start3A_40] : memref<253x80xi32, #tpu.memory_space<vmem>> -> memref<1x80xi32, #tpu.memory_space<vmem>>
      %dma_start3A_42 = tpu.memref_squeeze %dma_start3A_41 : memref<1x80xi32, #tpu.memory_space<vmem>> -> memref<80xi32, #tpu.memory_space<vmem>>
      %dma_start3A_43 = arith.constant 0 : i32
      %dma_start3A_44 = arith.constant 0 : i32
      %dma_start3A_45 = tpu.memref_slice %arg2[%arg0, %dma_start3A_43, %dma_start3A_44] : memref<2x10240x64xf32, #tpu.memory_space<hbm>> -> memref<1x10240x64xf32, #tpu.memory_space<hbm>>
      %dma_start3A_46 = tpu.memref_squeeze %dma_start3A_45 : memref<1x10240x64xf32, #tpu.memory_space<hbm>> -> memref<10240x64xf32, #tpu.memory_space<hbm>>
      %dma_start3A_47 = arith.constant 0 : i32
      %dma_start3A_48 = arith.constant 0 : i32
      %dma_start3A_49 = tpu.memref_slice %dma_start3A_46[%dma_start3A_47, %dma_start3A_48] : memref<10240x64xf32, #tpu.memory_space<hbm>> -> memref<10240x64xf32, #tpu.memory_space<hbm>>
      tpu.enqueue_indirect_dma source(%dma_start3A_49 : memref<10240x64xf32, #tpu.memory_space<hbm>>) target(%dma_start3A_39 : memref<80x64xf32, #tpu.memory_space<vmem>>) offsets(%dma_start3A_42 : memref<80xi32, #tpu.memory_space<vmem>>) semaphore(%arg11 : memref<!tpu.dma_semaphore, #tpu.memory_space<semaphore_mem>>)
    }
    %scan3A_5 = arith.constant 3 : i32
    %scan3A_6 = arith.constant 0 : i32
    %scan3A_7 = arith.constant 0 : i32
    %scan3A_8 = arith.constant 250 : i32
    %scan3A_9 = arith.addi %scan3A_7, %scan3A_8 : i32
    %scan3A_10 = arith.constant 1 : i32
    scf.for %scan3A_28 = %scan3A_7 to %scan3A_9 step %scan3A_10  : i32 {
      %jit3A = arith.constant 4 : i32
      %eq3A = arith.constant 0 : i32
      %eq3A_29 = arith.cmpi eq, %jit3A, %eq3A : i32
      %jit3A_30 = arith.constant 1 : i32
      %select_n3A = arith.select %eq3A_29, %jit3A_30, %jit3A : i32
      %rem3A = arith.remsi %scan3A_28, %select_n3A : i32
      %ne3A = arith.constant 0 : i32
      %ne3A_31 = arith.cmpi ne, %rem3A, %ne3A : i32
      %lt3A = arith.constant 0 : i32
      %lt3A_32 = arith.cmpi slt, %rem3A, %lt3A : i32
      %lt3A_33 = arith.constant 0 : i32
      %lt3A_34 = arith.cmpi slt, %select_n3A, %lt3A_33 : i32
      %ne3A_35 = arith.xori %lt3A_32, %lt3A_34 : i1
      %and3A = arith.andi %ne3A_35, %ne3A_31 : i1
      %add3A = arith.addi %rem3A, %select_n3A : i32
      %select_n3A_36 = arith.select %and3A, %add3A, %rem3A : i32
      %mul3A_37 = arith.constant 80 : i32
      %mul3A_38 = arith.muli %select_n3A_36, %mul3A_37 : i32
      %dma_wait3A_39 = arith.constant 0 : i32
      %dma_wait3A_40 = tpu.memref_slice %arg9[%mul3A_38, %dma_wait3A_39] : memref<320x64xf32, #tpu.memory_space<vmem>> -> memref<80x64xf32, #tpu.memory_space<vmem>>
      %dma_wait3A_41 = arith.constant 0 : i32
      %dma_wait3A_42 = tpu.memref_slice %arg7[%scan3A_28, %dma_wait3A_41] : memref<253x80xi32, #tpu.memory_space<vmem>> -> memref<1x80xi32, #tpu.memory_space<vmem>>
      %dma_wait3A_43 = tpu.memref_squeeze %dma_wait3A_42 : memref<1x80xi32, #tpu.memory_space<vmem>> -> memref<80xi32, #tpu.memory_space<vmem>>
      %dma_wait3A_44 = arith.constant 0 : i32
      %dma_wait3A_45 = arith.constant 0 : i32
      %dma_wait3A_46 = tpu.memref_slice %arg2[%arg0, %dma_wait3A_44, %dma_wait3A_45] : memref<2x10240x64xf32, #tpu.memory_space<hbm>> -> memref<1x10240x64xf32, #tpu.memory_space<hbm>>
      %dma_wait3A_47 = tpu.memref_squeeze %dma_wait3A_46 : memref<1x10240x64xf32, #tpu.memory_space<hbm>> -> memref<10240x64xf32, #tpu.memory_space<hbm>>
      %dma_wait3A_48 = arith.constant 0 : i32
      %dma_wait3A_49 = arith.constant 0 : i32
      %dma_wait3A_50 = tpu.memref_slice %dma_wait3A_47[%dma_wait3A_48, %dma_wait3A_49] : memref<10240x64xf32, #tpu.memory_space<hbm>> -> memref<10240x64xf32, #tpu.memory_space<hbm>>
      tpu.wait_indirect_dma semaphore(%arg11 : memref<!tpu.dma_semaphore, #tpu.memory_space<semaphore_mem>>) src(%dma_wait3A_50 : memref<10240x64xf32, #tpu.memory_space<hbm>>) dst(%dma_wait3A_40 : memref<80x64xf32, #tpu.memory_space<vmem>>)
      %jit3A_51 = arith.constant 4 : i32
      %eq3A_52 = arith.constant 0 : i32
      %eq3A_53 = arith.cmpi eq, %jit3A_51, %eq3A_52 : i32
      %jit3A_54 = arith.constant 1 : i32
      %select_n3A_55 = arith.select %eq3A_53, %jit3A_54, %jit3A_51 : i32
      %rem3A_56 = arith.remsi %scan3A_28, %select_n3A_55 : i32
      %ne3A_57 = arith.constant 0 : i32
      %ne3A_58 = arith.cmpi ne, %rem3A_56, %ne3A_57 : i32
      %lt3A_59 = arith.constant 0 : i32
      %lt3A_60 = arith.cmpi slt, %rem3A_56, %lt3A_59 : i32
      %lt3A_61 = arith.constant 0 : i32
      %lt3A_62 = arith.cmpi slt, %select_n3A_55, %lt3A_61 : i32
      %ne3A_63 = arith.xori %lt3A_60, %lt3A_62 : i1
      %and3A_64 = arith.andi %ne3A_63, %ne3A_58 : i1
      %add3A_65 = arith.addi %rem3A_56, %select_n3A_55 : i32
      %select_n3A_66 = arith.select %and3A_64, %add3A_65, %rem3A_56 : i32
      %mul3A_67 = arith.constant 80 : i32
      %mul3A_68 = arith.muli %select_n3A_66, %mul3A_67 : i32
      %dma_start3A = arith.constant 0 : i32
      %dma_start3A_69 = tpu.memref_slice %arg9[%mul3A_68, %dma_start3A] : memref<320x64xf32, #tpu.memory_space<vmem>> -> memref<80x64xf32, #tpu.memory_space<vmem>>
      %dma_start3A_70 = arith.constant 0 : i32
      %dma_start3A_71 = tpu.memref_slice %arg8[%scan3A_28, %dma_start3A_70] : memref<250x80xi32, #tpu.memory_space<vmem>> -> memref<1x80xi32, #tpu.memory_space<vmem>>
      %dma_start3A_72 = tpu.memref_squeeze %dma_start3A_71 : memref<1x80xi32, #tpu.memory_space<vmem>> -> memref<80xi32, #tpu.memory_space<vmem>>
      %dma_start3A_73 = arith.constant 0 : i32
      %dma_start3A_74 = arith.constant 0 : i32
      %dma_start3A_75 = tpu.memref_slice %arg10[%dma_start3A_73, %dma_start3A_74] : memref<10240x64xf32, #tpu.memory_space<vmem_shared>> -> memref<10240x64xf32, #tpu.memory_space<vmem_shared>>
      tpu.enqueue_indirect_dma source(%dma_start3A_69 : memref<80x64xf32, #tpu.memory_space<vmem>>) target(%dma_start3A_75 : memref<10240x64xf32, #tpu.memory_space<vmem_shared>>) offsets(%dma_start3A_72 : memref<80xi32, #tpu.memory_space<vmem>>) semaphore(%arg12 : memref<!tpu.dma_semaphore, #tpu.memory_space<semaphore_mem>>) {add = true}
      %ge3A = arith.constant 1 : i32
      %ge3A_76 = arith.cmpi sge, %scan3A_28, %ge3A : i32
      %convert_element_type3A = arith.extui %ge3A_76 : i1 to i32
      %cond3A = arith.constant 0 : i32
      %cond3A_77 = arith.cmpi ne, %convert_element_type3A, %cond3A : i32
      scf.if %cond3A_77 {
        %jit3A_111 = arith.constant 4 : i32
        %eq3A_112 = arith.constant 0 : i32
        %eq3A_113 = arith.cmpi eq, %jit3A_111, %eq3A_112 : i32
        %jit3A_114 = arith.constant 1 : i32
        %select_n3A_115 = arith.select %eq3A_113, %jit3A_114, %jit3A_111 : i32
        %rem3A_116 = arith.remsi %scan3A_28, %select_n3A_115 : i32
        %ne3A_117 = arith.constant 0 : i32
        %ne3A_118 = arith.cmpi ne, %rem3A_116, %ne3A_117 : i32
        %lt3A_119 = arith.constant 0 : i32
        %lt3A_120 = arith.cmpi slt, %rem3A_116, %lt3A_119 : i32
        %lt3A_121 = arith.constant 0 : i32
        %lt3A_122 = arith.cmpi slt, %select_n3A_115, %lt3A_121 : i32
        %ne3A_123 = arith.xori %lt3A_120, %lt3A_122 : i1
        %and3A_124 = arith.andi %ne3A_123, %ne3A_118 : i1
        %add3A_125 = arith.addi %rem3A_116, %select_n3A_115 : i32
        %select_n3A_126 = arith.select %and3A_124, %add3A_125, %rem3A_116 : i32
        %mul3A_127 = arith.constant 80 : i32
        %mul3A_128 = arith.muli %select_n3A_126, %mul3A_127 : i32
        %dma_wait3A_129 = arith.constant 0 : i32
        %dma_wait3A_130 = tpu.memref_slice %arg9[%mul3A_128, %dma_wait3A_129] : memref<320x64xf32, #tpu.memory_space<vmem>> -> memref<80x64xf32, #tpu.memory_space<vmem>>
        %dma_wait3A_131 = arith.constant 0 : i32
        %dma_wait3A_132 = tpu.memref_slice %arg8[%scan3A_28, %dma_wait3A_131] : memref<250x80xi32, #tpu.memory_space<vmem>> -> memref<1x80xi32, #tpu.memory_space<vmem>>
        %dma_wait3A_133 = tpu.memref_squeeze %dma_wait3A_132 : memref<1x80xi32, #tpu.memory_space<vmem>> -> memref<80xi32, #tpu.memory_space<vmem>>
        %dma_wait3A_134 = arith.constant 0 : i32
        %dma_wait3A_135 = arith.constant 0 : i32
        %dma_wait3A_136 = tpu.memref_slice %arg10[%dma_wait3A_134, %dma_wait3A_135] : memref<10240x64xf32, #tpu.memory_space<vmem_shared>> -> memref<10240x64xf32, #tpu.memory_space<vmem_shared>>
        tpu.wait_indirect_dma semaphore(%arg12 : memref<!tpu.dma_semaphore, #tpu.memory_space<semaphore_mem>>) src(%dma_wait3A_130 : memref<80x64xf32, #tpu.memory_space<vmem>>) dst(%dma_wait3A_136 : memref<10240x64xf32, #tpu.memory_space<vmem_shared>>)
      } else {
      }
      %add3A_78 = arith.constant 4 : i32
      %add3A_79 = arith.addi %scan3A_28, %add3A_78 : i32
      %sub3A = arith.constant 1 : i32
      %sub3A_80 = arith.subi %add3A_79, %sub3A : i32
      %jit3A_81 = arith.constant 4 : i32
      %eq3A_82 = arith.constant 0 : i32
      %eq3A_83 = arith.cmpi eq, %jit3A_81, %eq3A_82 : i32
      %jit3A_84 = arith.constant 1 : i32
      %select_n3A_85 = arith.select %eq3A_83, %jit3A_84, %jit3A_81 : i32
      %rem3A_86 = arith.remsi %sub3A_80, %select_n3A_85 : i32
      %ne3A_87 = arith.constant 0 : i32
      %ne3A_88 = arith.cmpi ne, %rem3A_86, %ne3A_87 : i32
      %lt3A_89 = arith.constant 0 : i32
      %lt3A_90 = arith.cmpi slt, %rem3A_86, %lt3A_89 : i32
      %lt3A_91 = arith.constant 0 : i32
      %lt3A_92 = arith.cmpi slt, %select_n3A_85, %lt3A_91 : i32
      %ne3A_93 = arith.xori %lt3A_90, %lt3A_92 : i1
      %and3A_94 = arith.andi %ne3A_93, %ne3A_88 : i1
      %add3A_95 = arith.addi %rem3A_86, %select_n3A_85 : i32
      %select_n3A_96 = arith.select %and3A_94, %add3A_95, %rem3A_86 : i32
      %mul3A_97 = arith.constant 80 : i32
      %mul3A_98 = arith.muli %select_n3A_96, %mul3A_97 : i32
      %dma_start3A_99 = arith.constant 0 : i32
      %dma_start3A_100 = tpu.memref_slice %arg9[%mul3A_98, %dma_start3A_99] : memref<320x64xf32, #tpu.memory_space<vmem>> -> memref<80x64xf32, #tpu.memory_space<vmem>>
      %dma_start3A_101 = arith.constant 0 : i32
      %dma_start3A_102 = tpu.memref_slice %arg7[%sub3A_80, %dma_start3A_101] : memref<253x80xi32, #tpu.memory_space<vmem>> -> memref<1x80xi32, #tpu.memory_space<vmem>>
      %dma_start3A_103 = tpu.memref_squeeze %dma_start3A_102 : memref<1x80xi32, #tpu.memory_space<vmem>> -> memref<80xi32, #tpu.memory_space<vmem>>
      %dma_start3A_104 = arith.constant 0 : i32
      %dma_start3A_105 = arith.constant 0 : i32
      %dma_start3A_106 = tpu.memref_slice %arg2[%arg0, %dma_start3A_104, %dma_start3A_105] : memref<2x10240x64xf32, #tpu.memory_space<hbm>> -> memref<1x10240x64xf32, #tpu.memory_space<hbm>>
      %dma_start3A_107 = tpu.memref_squeeze %dma_start3A_106 : memref<1x10240x64xf32, #tpu.memory_space<hbm>> -> memref<10240x64xf32, #tpu.memory_space<hbm>>
      %dma_start3A_108 = arith.constant 0 : i32
      %dma_start3A_109 = arith.constant 0 : i32
      %dma_start3A_110 = tpu.memref_slice %dma_start3A_107[%dma_start3A_108, %dma_start3A_109] : memref<10240x64xf32, #tpu.memory_space<hbm>> -> memref<10240x64xf32, #tpu.memory_space<hbm>>
      tpu.enqueue_indirect_dma source(%dma_start3A_110 : memref<10240x64xf32, #tpu.memory_space<hbm>>) target(%dma_start3A_100 : memref<80x64xf32, #tpu.memory_space<vmem>>) offsets(%dma_start3A_103 : memref<80xi32, #tpu.memory_space<vmem>>) semaphore(%arg11 : memref<!tpu.dma_semaphore, #tpu.memory_space<semaphore_mem>>)
    }
    %scan3A_11 = arith.constant 250 : i32
    %dma_wait3A = arith.constant 249 : i32
    %dma_wait3A_12 = arith.constant 80 : i32
    %dma_wait3A_13 = arith.constant 0 : i32
    %dma_wait3A_14 = tpu.memref_slice %arg9[%dma_wait3A_12, %dma_wait3A_13] : memref<320x64xf32, #tpu.memory_space<vmem>> -> memref<80x64xf32, #tpu.memory_space<vmem>>
    %dma_wait3A_15 = arith.constant 0 : i32
    %dma_wait3A_16 = tpu.memref_slice %arg8[%dma_wait3A, %dma_wait3A_15] : memref<250x80xi32, #tpu.memory_space<vmem>> -> memref<1x80xi32, #tpu.memory_space<vmem>>
    %dma_wait3A_17 = tpu.memref_squeeze %dma_wait3A_16 : memref<1x80xi32, #tpu.memory_space<vmem>> -> memref<80xi32, #tpu.memory_space<vmem>>
    %dma_wait3A_18 = arith.constant 0 : i32
    %dma_wait3A_19 = arith.constant 0 : i32
    %dma_wait3A_20 = tpu.memref_slice %arg10[%dma_wait3A_18, %dma_wait3A_19] : memref<10240x64xf32, #tpu.memory_space<vmem_shared>> -> memref<10240x64xf32, #tpu.memory_space<vmem_shared>>
    tpu.wait_indirect_dma semaphore(%arg12 : memref<!tpu.dma_semaphore, #tpu.memory_space<semaphore_mem>>) src(%dma_wait3A_14 : memref<80x64xf32, #tpu.memory_space<vmem>>) dst(%dma_wait3A_20 : memref<10240x64xf32, #tpu.memory_space<vmem_shared>>)
    %scan3A_21 = arith.constant 0 : i32
    %scan3A_22 = arith.constant 250 : i32
    %scan3A_23 = arith.constant 3 : i32
    %scan3A_24 = arith.addi %scan3A_22, %scan3A_23 : i32
    %scan3A_25 = arith.constant 1 : i32
    scf.for %scan3A_28 = %scan3A_22 to %scan3A_24 step %scan3A_25  : i32 {
      %jit3A = arith.constant 4 : i32
      %eq3A = arith.constant 0 : i32
      %eq3A_29 = arith.cmpi eq, %jit3A, %eq3A : i32
      %jit3A_30 = arith.constant 1 : i32
      %select_n3A = arith.select %eq3A_29, %jit3A_30, %jit3A : i32
      %rem3A = arith.remsi %scan3A_28, %select_n3A : i32
      %ne3A = arith.constant 0 : i32
      %ne3A_31 = arith.cmpi ne, %rem3A, %ne3A : i32
      %lt3A = arith.constant 0 : i32
      %lt3A_32 = arith.cmpi slt, %rem3A, %lt3A : i32
      %lt3A_33 = arith.constant 0 : i32
      %lt3A_34 = arith.cmpi slt, %select_n3A, %lt3A_33 : i32
      %ne3A_35 = arith.xori %lt3A_32, %lt3A_34 : i1
      %and3A = arith.andi %ne3A_35, %ne3A_31 : i1
      %add3A = arith.addi %rem3A, %select_n3A : i32
      %select_n3A_36 = arith.select %and3A, %add3A, %rem3A : i32
      %mul3A_37 = arith.constant 80 : i32
      %mul3A_38 = arith.muli %select_n3A_36, %mul3A_37 : i32
      %dma_wait3A_39 = arith.constant 0 : i32
      %dma_wait3A_40 = tpu.memref_slice %arg9[%mul3A_38, %dma_wait3A_39] : memref<320x64xf32, #tpu.memory_space<vmem>> -> memref<80x64xf32, #tpu.memory_space<vmem>>
      %dma_wait3A_41 = arith.constant 0 : i32
      %dma_wait3A_42 = tpu.memref_slice %arg7[%scan3A_28, %dma_wait3A_41] : memref<253x80xi32, #tpu.memory_space<vmem>> -> memref<1x80xi32, #tpu.memory_space<vmem>>
      %dma_wait3A_43 = tpu.memref_squeeze %dma_wait3A_42 : memref<1x80xi32, #tpu.memory_space<vmem>> -> memref<80xi32, #tpu.memory_space<vmem>>
      %dma_wait3A_44 = arith.constant 0 : i32
      %dma_wait3A_45 = arith.constant 0 : i32
      %dma_wait3A_46 = tpu.memref_slice %arg2[%arg0, %dma_wait3A_44, %dma_wait3A_45] : memref<2x10240x64xf32, #tpu.memory_space<hbm>> -> memref<1x10240x64xf32, #tpu.memory_space<hbm>>
      %dma_wait3A_47 = tpu.memref_squeeze %dma_wait3A_46 : memref<1x10240x64xf32, #tpu.memory_space<hbm>> -> memref<10240x64xf32, #tpu.memory_space<hbm>>
      %dma_wait3A_48 = arith.constant 0 : i32
      %dma_wait3A_49 = arith.constant 0 : i32
      %dma_wait3A_50 = tpu.memref_slice %dma_wait3A_47[%dma_wait3A_48, %dma_wait3A_49] : memref<10240x64xf32, #tpu.memory_space<hbm>> -> memref<10240x64xf32, #tpu.memory_space<hbm>>
      tpu.wait_indirect_dma semaphore(%arg11 : memref<!tpu.dma_semaphore, #tpu.memory_space<semaphore_mem>>) src(%dma_wait3A_50 : memref<10240x64xf32, #tpu.memory_space<hbm>>) dst(%dma_wait3A_40 : memref<80x64xf32, #tpu.memory_space<vmem>>)
    }
    %scan3A_26 = arith.constant 3 : i32
    %barrier3A_27 = arith.constant 0 : index
    tpu.barrier barrier_id(%barrier3A_27)
    "tpu.region"() ({
      %run_scoped3A = tpu.sem_alloc : memref<!tpu.dma_semaphore, #tpu.memory_space<semaphore_mem>>
      %dma_start3A = arith.constant 0 : i32
      %dma_start3A_28 = arith.constant 0 : i32
      %dma_start3A_29 = tpu.memref_slice %arg6[%arg0, %dma_start3A, %dma_start3A_28] : memref<2x10240x64xf32, #tpu.memory_space<hbm>> -> memref<1x10240x64xf32, #tpu.memory_space<hbm>>
      %dma_start3A_30 = tpu.memref_squeeze %dma_start3A_29 : memref<1x10240x64xf32, #tpu.memory_space<hbm>> -> memref<10240x64xf32, #tpu.memory_space<hbm>>
      %dma_start3A_31 = arith.constant 0 : i32
      %dma_start3A_32 = tpu.memref_slice %dma_start3A_30[%mul3A_0, %dma_start3A_31] : memref<10240x64xf32, #tpu.memory_space<hbm>> -> memref<640x64xf32, #tpu.memory_space<hbm>>
      %dma_start3A_33 = arith.constant 0 : i32
      %dma_start3A_34 = tpu.memref_slice %arg10[%mul3A_0, %dma_start3A_33] : memref<10240x64xf32, #tpu.memory_space<vmem_shared>> -> memref<640x64xf32, #tpu.memory_space<vmem_shared>>
      tpu.enqueue_dma source(%dma_start3A_34 : memref<640x64xf32, #tpu.memory_space<vmem_shared>>) target(%dma_start3A_32 : memref<640x64xf32, #tpu.memory_space<hbm>>) target_semaphore(%run_scoped3A : memref<!tpu.dma_semaphore, #tpu.memory_space<semaphore_mem>>)
      %dma_wait3A_35 = arith.constant 0 : i32
      %dma_wait3A_36 = arith.constant 0 : i32
      %dma_wait3A_37 = tpu.memref_slice %arg6[%arg0, %dma_wait3A_35, %dma_wait3A_36] : memref<2x10240x64xf32, #tpu.memory_space<hbm>> -> memref<1x10240x64xf32, #tpu.memory_space<hbm>>
      %dma_wait3A_38 = tpu.memref_squeeze %dma_wait3A_37 : memref<1x10240x64xf32, #tpu.memory_space<hbm>> -> memref<10240x64xf32, #tpu.memory_space<hbm>>
      %dma_wait3A_39 = arith.constant 0 : i32
      %dma_wait3A_40 = tpu.memref_slice %dma_wait3A_38[%mul3A_0, %dma_wait3A_39] : memref<10240x64xf32, #tpu.memory_space<hbm>> -> memref<640x64xf32, #tpu.memory_space<hbm>>
      %dma_wait3A_41 = arith.constant 0 : i32
      %dma_wait3A_42 = tpu.memref_slice %arg10[%mul3A_0, %dma_wait3A_41] : memref<10240x64xf32, #tpu.memory_space<vmem_shared>> -> memref<640x64xf32, #tpu.memory_space<vmem_shared>>
      tpu.wait_dma2 semaphore(%run_scoped3A : memref<!tpu.dma_semaphore, #tpu.memory_space<semaphore_mem>>) src(%dma_wait3A_42 : memref<640x64xf32, #tpu.memory_space<vmem_shared>>) dst(%dma_wait3A_40 : memref<640x64xf32, #tpu.memory_space<hbm>>)
      tpu.yield
    }) : () -> ()
    return
  }
}

#map = affine_map<(d0, d1) -> (0, 0)>
#map1 = affine_map<(d0, d1) -> (0, 0, 0)>
module attributes {stable_mosaic.version = 14 : i64} {
  func.func @k(%arg0: i32, %arg1: i32, %arg2: memref<10240x16xf32, #tpu.memory_space<hbm>>, %arg3: memref<32x128x80xi32, #tpu.memory_space<hbm>>, %arg4: memref<32x125x80xi32, #tpu.memory_space<hbm>>, %arg5: memref<2x10240x16xf32, #tpu.memory_space<hbm>>, %arg6: memref<2x10240x16xf32, #tpu.memory_space<hbm>>, %arg7: memref<128x80xi32, #tpu.memory_space<vmem>>, %arg8: memref<125x80xi32, #tpu.memory_space<vmem>>, %arg9: memref<320x16xf32, #tpu.memory_space<vmem>>, %arg10: memref<10240x16xf32, #tpu.memory_space<vmem_shared>>, %arg11: memref<10240x16xf32, #tpu.memory_space<vmem_shared>>, %arg12: memref<!tpu.dma_semaphore, #tpu.memory_space<semaphore_mem>>, %arg13: memref<!tpu.dma_semaphore, #tpu.memory_space<semaphore_mem>>) attributes {dimension_semantics = [#tpu.dimension_semantics<core_parallel>, #tpu.dimension_semantics<subcore_parallel>], iteration_bounds = array<i64: 2, 16>, scalar_prefetch = 0 : i64, scratch_operands = 7 : i64, tpu.core_type = #tpu.core_type<sc_vector_subcore>, window_params = [{transform_indices = #map}, {transform_indices = #map1}, {transform_indices = #map1}, {transform_indices = #map1}, {transform_indices = #map1}]} {
    %mul3A = arith.constant 2 : i32
    %mul3A_0 = arith.muli %arg1, %mul3A : i32
    %add3A = arith.addi %mul3A_0, %arg0 : i32
    %mul3A_1 = arith.constant 640 : i32
    %mul3A_2 = arith.muli %arg1, %mul3A_1 : i32
    "tpu.region"() ({
      %run_scoped3A = tpu.sem_alloc : memref<!tpu.dma_semaphore, #tpu.memory_space<semaphore_mem>>
      %dma_start3A = arith.constant 0 : i32
      %dma_start3A_30 = tpu.memref_slice %arg11[%mul3A_2, %dma_start3A] : memref<10240x16xf32, #tpu.memory_space<vmem_shared>> -> memref<640x16xf32, #tpu.memory_space<vmem_shared>>
      %dma_start3A_31 = arith.constant 0 : i32
      %dma_start3A_32 = tpu.memref_slice %arg2[%mul3A_2, %dma_start3A_31] : memref<10240x16xf32, #tpu.memory_space<hbm>> -> memref<640x16xf32, #tpu.memory_space<hbm>>
      tpu.enqueue_dma source(%dma_start3A_32 : memref<640x16xf32, #tpu.memory_space<hbm>>) target(%dma_start3A_30 : memref<640x16xf32, #tpu.memory_space<vmem_shared>>) target_semaphore(%run_scoped3A : memref<!tpu.dma_semaphore, #tpu.memory_space<semaphore_mem>>)
      %dma_wait3A_33 = arith.constant 0 : i32
      %dma_wait3A_34 = tpu.memref_slice %arg11[%mul3A_2, %dma_wait3A_33] : memref<10240x16xf32, #tpu.memory_space<vmem_shared>> -> memref<640x16xf32, #tpu.memory_space<vmem_shared>>
      %dma_wait3A_35 = arith.constant 0 : i32
      %dma_wait3A_36 = tpu.memref_slice %arg2[%mul3A_2, %dma_wait3A_35] : memref<10240x16xf32, #tpu.memory_space<hbm>> -> memref<640x16xf32, #tpu.memory_space<hbm>>
      tpu.wait_dma2 semaphore(%run_scoped3A : memref<!tpu.dma_semaphore, #tpu.memory_space<semaphore_mem>>) src(%dma_wait3A_36 : memref<640x16xf32, #tpu.memory_space<hbm>>) dst(%dma_wait3A_34 : memref<640x16xf32, #tpu.memory_space<vmem_shared>>)
      tpu.yield
    }) : () -> ()
    "tpu.region"() ({
      %run_scoped3A = tpu.sem_alloc : memref<!tpu.dma_semaphore, #tpu.memory_space<semaphore_mem>>
      %dma_start3A = arith.constant 0 : i32
      %dma_start3A_30 = tpu.memref_slice %arg10[%mul3A_2, %dma_start3A] : memref<10240x16xf32, #tpu.memory_space<vmem_shared>> -> memref<640x16xf32, #tpu.memory_space<vmem_shared>>
      %dma_start3A_31 = arith.constant 0 : i32
      %dma_start3A_32 = arith.constant 0 : i32
      %dma_start3A_33 = tpu.memref_slice %arg5[%arg0, %dma_start3A_31, %dma_start3A_32] : memref<2x10240x16xf32, #tpu.memory_space<hbm>> -> memref<1x10240x16xf32, #tpu.memory_space<hbm>>
      %dma_start3A_34 = tpu.memref_squeeze %dma_start3A_33 : memref<1x10240x16xf32, #tpu.memory_space<hbm>> -> memref<10240x16xf32, #tpu.memory_space<hbm>>
      %dma_start3A_35 = arith.constant 0 : i32
      %dma_start3A_36 = tpu.memref_slice %dma_start3A_34[%mul3A_2, %dma_start3A_35] : memref<10240x16xf32, #tpu.memory_space<hbm>> -> memref<640x16xf32, #tpu.memory_space<hbm>>
      tpu.enqueue_dma source(%dma_start3A_36 : memref<640x16xf32, #tpu.memory_space<hbm>>) target(%dma_start3A_30 : memref<640x16xf32, #tpu.memory_space<vmem_shared>>) target_semaphore(%run_scoped3A : memref<!tpu.dma_semaphore, #tpu.memory_space<semaphore_mem>>)
      %dma_wait3A_37 = arith.constant 0 : i32
      %dma_wait3A_38 = tpu.memref_slice %arg10[%mul3A_2, %dma_wait3A_37] : memref<10240x16xf32, #tpu.memory_space<vmem_shared>> -> memref<640x16xf32, #tpu.memory_space<vmem_shared>>
      %dma_wait3A_39 = arith.constant 0 : i32
      %dma_wait3A_40 = arith.constant 0 : i32
      %dma_wait3A_41 = tpu.memref_slice %arg5[%arg0, %dma_wait3A_39, %dma_wait3A_40] : memref<2x10240x16xf32, #tpu.memory_space<hbm>> -> memref<1x10240x16xf32, #tpu.memory_space<hbm>>
      %dma_wait3A_42 = tpu.memref_squeeze %dma_wait3A_41 : memref<1x10240x16xf32, #tpu.memory_space<hbm>> -> memref<10240x16xf32, #tpu.memory_space<hbm>>
      %dma_wait3A_43 = arith.constant 0 : i32
      %dma_wait3A_44 = tpu.memref_slice %dma_wait3A_42[%mul3A_2, %dma_wait3A_43] : memref<10240x16xf32, #tpu.memory_space<hbm>> -> memref<640x16xf32, #tpu.memory_space<hbm>>
      tpu.wait_dma2 semaphore(%run_scoped3A : memref<!tpu.dma_semaphore, #tpu.memory_space<semaphore_mem>>) src(%dma_wait3A_44 : memref<640x16xf32, #tpu.memory_space<hbm>>) dst(%dma_wait3A_38 : memref<640x16xf32, #tpu.memory_space<vmem_shared>>)
      tpu.yield
    }) : () -> ()
    "tpu.region"() ({
      %run_scoped3A = tpu.sem_alloc : memref<!tpu.dma_semaphore, #tpu.memory_space<semaphore_mem>>
      %dma_start3A = arith.constant 0 : i32
      %dma_start3A_30 = arith.constant 0 : i32
      %dma_start3A_31 = tpu.memref_slice %arg3[%add3A, %dma_start3A, %dma_start3A_30] : memref<32x128x80xi32, #tpu.memory_space<hbm>> -> memref<1x128x80xi32, #tpu.memory_space<hbm>>
      %dma_start3A_32 = tpu.memref_squeeze %dma_start3A_31 : memref<1x128x80xi32, #tpu.memory_space<hbm>> -> memref<128x80xi32, #tpu.memory_space<hbm>>
      %dma_start3A_33 = arith.constant 0 : i32
      %dma_start3A_34 = arith.constant 0 : i32
      %dma_start3A_35 = tpu.memref_slice %arg3[%add3A, %dma_start3A_33, %dma_start3A_34] : memref<32x128x80xi32, #tpu.memory_space<hbm>> -> memref<1x128x80xi32, #tpu.memory_space<hbm>>
      %dma_start3A_36 = tpu.memref_squeeze %dma_start3A_35 : memref<1x128x80xi32, #tpu.memory_space<hbm>> -> memref<128x80xi32, #tpu.memory_space<hbm>>
      tpu.enqueue_dma source(%dma_start3A_36 : memref<128x80xi32, #tpu.memory_space<hbm>>) target(%arg7 : memref<128x80xi32, #tpu.memory_space<vmem>>) target_semaphore(%run_scoped3A : memref<!tpu.dma_semaphore, #tpu.memory_space<semaphore_mem>>)
      %dma_wait3A_37 = arith.constant 0 : i32
      %dma_wait3A_38 = arith.constant 0 : i32
      %dma_wait3A_39 = tpu.memref_slice %arg3[%add3A, %dma_wait3A_37, %dma_wait3A_38] : memref<32x128x80xi32, #tpu.memory_space<hbm>> -> memref<1x128x80xi32, #tpu.memory_space<hbm>>
      %dma_wait3A_40 = tpu.memref_squeeze %dma_wait3A_39 : memref<1x128x80xi32, #tpu.memory_space<hbm>> -> memref<128x80xi32, #tpu.memory_space<hbm>>
      %dma_wait3A_41 = arith.constant 0 : i32
      %dma_wait3A_42 = arith.constant 0 : i32
      %dma_wait3A_43 = tpu.memref_slice %arg3[%add3A, %dma_wait3A_41, %dma_wait3A_42] : memref<32x128x80xi32, #tpu.memory_space<hbm>> -> memref<1x128x80xi32, #tpu.memory_space<hbm>>
      %dma_wait3A_44 = tpu.memref_squeeze %dma_wait3A_43 : memref<1x128x80xi32, #tpu.memory_space<hbm>> -> memref<128x80xi32, #tpu.memory_space<hbm>>
      tpu.wait_dma2 semaphore(%run_scoped3A : memref<!tpu.dma_semaphore, #tpu.memory_space<semaphore_mem>>) src(%dma_wait3A_44 : memref<128x80xi32, #tpu.memory_space<hbm>>) dst(%arg7 : memref<128x80xi32, #tpu.memory_space<vmem>>)
      tpu.yield
    }) : () -> ()
    "tpu.region"() ({
      %run_scoped3A = tpu.sem_alloc : memref<!tpu.dma_semaphore, #tpu.memory_space<semaphore_mem>>
      %dma_start3A = arith.constant 0 : i32
      %dma_start3A_30 = arith.constant 0 : i32
      %dma_start3A_31 = tpu.memref_slice %arg4[%add3A, %dma_start3A, %dma_start3A_30] : memref<32x125x80xi32, #tpu.memory_space<hbm>> -> memref<1x125x80xi32, #tpu.memory_space<hbm>>
      %dma_start3A_32 = tpu.memref_squeeze %dma_start3A_31 : memref<1x125x80xi32, #tpu.memory_space<hbm>> -> memref<125x80xi32, #tpu.memory_space<hbm>>
      %dma_start3A_33 = arith.constant 0 : i32
      %dma_start3A_34 = arith.constant 0 : i32
      %dma_start3A_35 = tpu.memref_slice %arg4[%add3A, %dma_start3A_33, %dma_start3A_34] : memref<32x125x80xi32, #tpu.memory_space<hbm>> -> memref<1x125x80xi32, #tpu.memory_space<hbm>>
      %dma_start3A_36 = tpu.memref_squeeze %dma_start3A_35 : memref<1x125x80xi32, #tpu.memory_space<hbm>> -> memref<125x80xi32, #tpu.memory_space<hbm>>
      tpu.enqueue_dma source(%dma_start3A_36 : memref<125x80xi32, #tpu.memory_space<hbm>>) target(%arg8 : memref<125x80xi32, #tpu.memory_space<vmem>>) target_semaphore(%run_scoped3A : memref<!tpu.dma_semaphore, #tpu.memory_space<semaphore_mem>>)
      %dma_wait3A_37 = arith.constant 0 : i32
      %dma_wait3A_38 = arith.constant 0 : i32
      %dma_wait3A_39 = tpu.memref_slice %arg4[%add3A, %dma_wait3A_37, %dma_wait3A_38] : memref<32x125x80xi32, #tpu.memory_space<hbm>> -> memref<1x125x80xi32, #tpu.memory_space<hbm>>
      %dma_wait3A_40 = tpu.memref_squeeze %dma_wait3A_39 : memref<1x125x80xi32, #tpu.memory_space<hbm>> -> memref<125x80xi32, #tpu.memory_space<hbm>>
      %dma_wait3A_41 = arith.constant 0 : i32
      %dma_wait3A_42 = arith.constant 0 : i32
      %dma_wait3A_43 = tpu.memref_slice %arg4[%add3A, %dma_wait3A_41, %dma_wait3A_42] : memref<32x125x80xi32, #tpu.memory_space<hbm>> -> memref<1x125x80xi32, #tpu.memory_space<hbm>>
      %dma_wait3A_44 = tpu.memref_squeeze %dma_wait3A_43 : memref<1x125x80xi32, #tpu.memory_space<hbm>> -> memref<125x80xi32, #tpu.memory_space<hbm>>
      tpu.wait_dma2 semaphore(%run_scoped3A : memref<!tpu.dma_semaphore, #tpu.memory_space<semaphore_mem>>) src(%dma_wait3A_44 : memref<125x80xi32, #tpu.memory_space<hbm>>) dst(%arg8 : memref<125x80xi32, #tpu.memory_space<vmem>>)
      tpu.yield
    }) : () -> ()
    %barrier3A = arith.constant 0 : index
    tpu.barrier barrier_id(%barrier3A)
    %scan3A = arith.constant 0 : i32
    %scan3A_3 = arith.constant 0 : i32
    %scan3A_4 = arith.constant 3 : i32
    %scan3A_5 = arith.addi %scan3A_3, %scan3A_4 : i32
    %scan3A_6 = arith.constant 1 : i32
    scf.for %scan3A_30 = %scan3A_3 to %scan3A_5 step %scan3A_6  : i32 {
      %jit3A = arith.constant 4 : i32
      %eq3A = arith.constant 0 : i32
      %eq3A_31 = arith.cmpi eq, %jit3A, %eq3A : i32
      %jit3A_32 = arith.constant 1 : i32
      %select_n3A = arith.select %eq3A_31, %jit3A_32, %jit3A : i32
      %rem3A = arith.remsi %scan3A_30, %select_n3A : i32
      %ne3A = arith.constant 0 : i32
      %ne3A_33 = arith.cmpi ne, %rem3A, %ne3A : i32
      %lt3A = arith.constant 0 : i32
      %lt3A_34 = arith.cmpi slt, %rem3A, %lt3A : i32
      %lt3A_35 = arith.constant 0 : i32
      %lt3A_36 = arith.cmpi slt, %select_n3A, %lt3A_35 : i32
      %ne3A_37 = arith.xori %lt3A_34, %lt3A_36 : i1
      %and3A = arith.andi %ne3A_37, %ne3A_33 : i1
      %add3A_38 = arith.addi %rem3A, %select_n3A : i32
      %select_n3A_39 = arith.select %and3A, %add3A_38, %rem3A : i32
      %mul3A_40 = arith.constant 80 : i32
      %mul3A_41 = arith.muli %select_n3A_39, %mul3A_40 : i32
      %dma_start3A = arith.constant 0 : i32
      %dma_start3A_42 = tpu.memref_slice %arg9[%mul3A_41, %dma_start3A] : memref<320x16xf32, #tpu.memory_space<vmem>> -> memref<80x16xf32, #tpu.memory_space<vmem>>
      %dma_start3A_43 = arith.constant 0 : i32
      %dma_start3A_44 = tpu.memref_slice %arg7[%scan3A_30, %dma_start3A_43] : memref<128x80xi32, #tpu.memory_space<vmem>> -> memref<1x80xi32, #tpu.memory_space<vmem>>
      %dma_start3A_45 = tpu.memref_squeeze %dma_start3A_44 : memref<1x80xi32, #tpu.memory_space<vmem>> -> memref<80xi32, #tpu.memory_space<vmem>>
      %dma_start3A_46 = arith.constant 0 : i32
      %dma_start3A_47 = arith.constant 0 : i32
      %dma_start3A_48 = tpu.memref_slice %arg11[%dma_start3A_46, %dma_start3A_47] : memref<10240x16xf32, #tpu.memory_space<vmem_shared>> -> memref<10240x16xf32, #tpu.memory_space<vmem_shared>>
      tpu.enqueue_indirect_dma source(%dma_start3A_48 : memref<10240x16xf32, #tpu.memory_space<vmem_shared>>) target(%dma_start3A_42 : memref<80x16xf32, #tpu.memory_space<vmem>>) offsets(%dma_start3A_45 : memref<80xi32, #tpu.memory_space<vmem>>) semaphore(%arg12 : memref<!tpu.dma_semaphore, #tpu.memory_space<semaphore_mem>>)
    }
    %scan3A_7 = arith.constant 3 : i32
    %scan3A_8 = arith.constant 0 : i32
    %scan3A_9 = arith.constant 0 : i32
    %scan3A_10 = arith.constant 125 : i32
    %scan3A_11 = arith.addi %scan3A_9, %scan3A_10 : i32
    %scan3A_12 = arith.constant 1 : i32
    scf.for %scan3A_30 = %scan3A_9 to %scan3A_11 step %scan3A_12  : i32 {
      %jit3A = arith.constant 4 : i32
      %eq3A = arith.constant 0 : i32
      %eq3A_31 = arith.cmpi eq, %jit3A, %eq3A : i32
      %jit3A_32 = arith.constant 1 : i32
      %select_n3A = arith.select %eq3A_31, %jit3A_32, %jit3A : i32
      %rem3A = arith.remsi %scan3A_30, %select_n3A : i32
      %ne3A = arith.constant 0 : i32
      %ne3A_33 = arith.cmpi ne, %rem3A, %ne3A : i32
      %lt3A = arith.constant 0 : i32
      %lt3A_34 = arith.cmpi slt, %rem3A, %lt3A : i32
      %lt3A_35 = arith.constant 0 : i32
      %lt3A_36 = arith.cmpi slt, %select_n3A, %lt3A_35 : i32
      %ne3A_37 = arith.xori %lt3A_34, %lt3A_36 : i1
      %and3A = arith.andi %ne3A_37, %ne3A_33 : i1
      %add3A_38 = arith.addi %rem3A, %select_n3A : i32
      %select_n3A_39 = arith.select %and3A, %add3A_38, %rem3A : i32
      %mul3A_40 = arith.constant 80 : i32
      %mul3A_41 = arith.muli %select_n3A_39, %mul3A_40 : i32
      %dma_wait3A_42 = arith.constant 0 : i32
      %dma_wait3A_43 = tpu.memref_slice %arg9[%mul3A_41, %dma_wait3A_42] : memref<320x16xf32, #tpu.memory_space<vmem>> -> memref<80x16xf32, #tpu.memory_space<vmem>>
      %dma_wait3A_44 = arith.constant 0 : i32
      %dma_wait3A_45 = tpu.memref_slice %arg7[%scan3A_30, %dma_wait3A_44] : memref<128x80xi32, #tpu.memory_space<vmem>> -> memref<1x80xi32, #tpu.memory_space<vmem>>
      %dma_wait3A_46 = tpu.memref_squeeze %dma_wait3A_45 : memref<1x80xi32, #tpu.memory_space<vmem>> -> memref<80xi32, #tpu.memory_space<vmem>>
      %dma_wait3A_47 = arith.constant 0 : i32
      %dma_wait3A_48 = arith.constant 0 : i32
      %dma_wait3A_49 = tpu.memref_slice %arg11[%dma_wait3A_47, %dma_wait3A_48] : memref<10240x16xf32, #tpu.memory_space<vmem_shared>> -> memref<10240x16xf32, #tpu.memory_space<vmem_shared>>
      tpu.wait_indirect_dma semaphore(%arg12 : memref<!tpu.dma_semaphore, #tpu.memory_space<semaphore_mem>>) src(%dma_wait3A_49 : memref<10240x16xf32, #tpu.memory_space<vmem_shared>>) dst(%dma_wait3A_43 : memref<80x16xf32, #tpu.memory_space<vmem>>)
      %jit3A_50 = arith.constant 4 : i32
      %eq3A_51 = arith.constant 0 : i32
      %eq3A_52 = arith.cmpi eq, %jit3A_50, %eq3A_51 : i32
      %jit3A_53 = arith.constant 1 : i32
      %select_n3A_54 = arith.select %eq3A_52, %jit3A_53, %jit3A_50 : i32
      %rem3A_55 = arith.remsi %scan3A_30, %select_n3A_54 : i32
      %ne3A_56 = arith.constant 0 : i32
      %ne3A_57 = arith.cmpi ne, %rem3A_55, %ne3A_56 : i32
      %lt3A_58 = arith.constant 0 : i32
      %lt3A_59 = arith.cmpi slt, %rem3A_55, %lt3A_58 : i32
      %lt3A_60 = arith.constant 0 : i32
      %lt3A_61 = arith.cmpi slt, %select_n3A_54, %lt3A_60 : i32
      %ne3A_62 = arith.xori %lt3A_59, %lt3A_61 : i1
      %and3A_63 = arith.andi %ne3A_62, %ne3A_57 : i1
      %add3A_64 = arith.addi %rem3A_55, %select_n3A_54 : i32
      %select_n3A_65 = arith.select %and3A_63, %add3A_64, %rem3A_55 : i32
      %mul3A_66 = arith.constant 80 : i32
      %mul3A_67 = arith.muli %select_n3A_65, %mul3A_66 : i32
      %dma_start3A = arith.constant 0 : i32
      %dma_start3A_68 = tpu.memref_slice %arg9[%mul3A_67, %dma_start3A] : memref<320x16xf32, #tpu.memory_space<vmem>> -> memref<80x16xf32, #tpu.memory_space<vmem>>
      %dma_start3A_69 = arith.constant 0 : i32
      %dma_start3A_70 = tpu.memref_slice %arg8[%scan3A_30, %dma_start3A_69] : memref<125x80xi32, #tpu.memory_space<vmem>> -> memref<1x80xi32, #tpu.memory_space<vmem>>
      %dma_start3A_71 = tpu.memref_squeeze %dma_start3A_70 : memref<1x80xi32, #tpu.memory_space<vmem>> -> memref<80xi32, #tpu.memory_space<vmem>>
      %dma_start3A_72 = arith.constant 0 : i32
      %dma_start3A_73 = arith.constant 0 : i32
      %dma_start3A_74 = tpu.memref_slice %arg10[%dma_start3A_72, %dma_start3A_73] : memref<10240x16xf32, #tpu.memory_space<vmem_shared>> -> memref<10240x16xf32, #tpu.memory_space<vmem_shared>>
      tpu.enqueue_indirect_dma source(%dma_start3A_68 : memref<80x16xf32, #tpu.memory_space<vmem>>) target(%dma_start3A_74 : memref<10240x16xf32, #tpu.memory_space<vmem_shared>>) offsets(%dma_start3A_71 : memref<80xi32, #tpu.memory_space<vmem>>) semaphore(%arg13 : memref<!tpu.dma_semaphore, #tpu.memory_space<semaphore_mem>>) {add = true}
      %ge3A = arith.constant 1 : i32
      %ge3A_75 = arith.cmpi sge, %scan3A_30, %ge3A : i32
      %convert_element_type3A = arith.extui %ge3A_75 : i1 to i32
      %cond3A = arith.constant 0 : i32
      %cond3A_76 = arith.cmpi ne, %convert_element_type3A, %cond3A : i32
      scf.if %cond3A_76 {
        %jit3A_106 = arith.constant 4 : i32
        %eq3A_107 = arith.constant 0 : i32
        %eq3A_108 = arith.cmpi eq, %jit3A_106, %eq3A_107 : i32
        %jit3A_109 = arith.constant 1 : i32
        %select_n3A_110 = arith.select %eq3A_108, %jit3A_109, %jit3A_106 : i32
        %rem3A_111 = arith.remsi %scan3A_30, %select_n3A_110 : i32
        %ne3A_112 = arith.constant 0 : i32
        %ne3A_113 = arith.cmpi ne, %rem3A_111, %ne3A_112 : i32
        %lt3A_114 = arith.constant 0 : i32
        %lt3A_115 = arith.cmpi slt, %rem3A_111, %lt3A_114 : i32
        %lt3A_116 = arith.constant 0 : i32
        %lt3A_117 = arith.cmpi slt, %select_n3A_110, %lt3A_116 : i32
        %ne3A_118 = arith.xori %lt3A_115, %lt3A_117 : i1
        %and3A_119 = arith.andi %ne3A_118, %ne3A_113 : i1
        %add3A_120 = arith.addi %rem3A_111, %select_n3A_110 : i32
        %select_n3A_121 = arith.select %and3A_119, %add3A_120, %rem3A_111 : i32
        %mul3A_122 = arith.constant 80 : i32
        %mul3A_123 = arith.muli %select_n3A_121, %mul3A_122 : i32
        %dma_wait3A_124 = arith.constant 0 : i32
        %dma_wait3A_125 = tpu.memref_slice %arg9[%mul3A_123, %dma_wait3A_124] : memref<320x16xf32, #tpu.memory_space<vmem>> -> memref<80x16xf32, #tpu.memory_space<vmem>>
        %dma_wait3A_126 = arith.constant 0 : i32
        %dma_wait3A_127 = tpu.memref_slice %arg8[%scan3A_30, %dma_wait3A_126] : memref<125x80xi32, #tpu.memory_space<vmem>> -> memref<1x80xi32, #tpu.memory_space<vmem>>
        %dma_wait3A_128 = tpu.memref_squeeze %dma_wait3A_127 : memref<1x80xi32, #tpu.memory_space<vmem>> -> memref<80xi32, #tpu.memory_space<vmem>>
        %dma_wait3A_129 = arith.constant 0 : i32
        %dma_wait3A_130 = arith.constant 0 : i32
        %dma_wait3A_131 = tpu.memref_slice %arg10[%dma_wait3A_129, %dma_wait3A_130] : memref<10240x16xf32, #tpu.memory_space<vmem_shared>> -> memref<10240x16xf32, #tpu.memory_space<vmem_shared>>
        tpu.wait_indirect_dma semaphore(%arg13 : memref<!tpu.dma_semaphore, #tpu.memory_space<semaphore_mem>>) src(%dma_wait3A_125 : memref<80x16xf32, #tpu.memory_space<vmem>>) dst(%dma_wait3A_131 : memref<10240x16xf32, #tpu.memory_space<vmem_shared>>)
      } else {
      }
      %add3A_77 = arith.constant 4 : i32
      %add3A_78 = arith.addi %scan3A_30, %add3A_77 : i32
      %sub3A = arith.constant 1 : i32
      %sub3A_79 = arith.subi %add3A_78, %sub3A : i32
      %jit3A_80 = arith.constant 4 : i32
      %eq3A_81 = arith.constant 0 : i32
      %eq3A_82 = arith.cmpi eq, %jit3A_80, %eq3A_81 : i32
      %jit3A_83 = arith.constant 1 : i32
      %select_n3A_84 = arith.select %eq3A_82, %jit3A_83, %jit3A_80 : i32
      %rem3A_85 = arith.remsi %sub3A_79, %select_n3A_84 : i32
      %ne3A_86 = arith.constant 0 : i32
      %ne3A_87 = arith.cmpi ne, %rem3A_85, %ne3A_86 : i32
      %lt3A_88 = arith.constant 0 : i32
      %lt3A_89 = arith.cmpi slt, %rem3A_85, %lt3A_88 : i32
      %lt3A_90 = arith.constant 0 : i32
      %lt3A_91 = arith.cmpi slt, %select_n3A_84, %lt3A_90 : i32
      %ne3A_92 = arith.xori %lt3A_89, %lt3A_91 : i1
      %and3A_93 = arith.andi %ne3A_92, %ne3A_87 : i1
      %add3A_94 = arith.addi %rem3A_85, %select_n3A_84 : i32
      %select_n3A_95 = arith.select %and3A_93, %add3A_94, %rem3A_85 : i32
      %mul3A_96 = arith.constant 80 : i32
      %mul3A_97 = arith.muli %select_n3A_95, %mul3A_96 : i32
      %dma_start3A_98 = arith.constant 0 : i32
      %dma_start3A_99 = tpu.memref_slice %arg9[%mul3A_97, %dma_start3A_98] : memref<320x16xf32, #tpu.memory_space<vmem>> -> memref<80x16xf32, #tpu.memory_space<vmem>>
      %dma_start3A_100 = arith.constant 0 : i32
      %dma_start3A_101 = tpu.memref_slice %arg7[%sub3A_79, %dma_start3A_100] : memref<128x80xi32, #tpu.memory_space<vmem>> -> memref<1x80xi32, #tpu.memory_space<vmem>>
      %dma_start3A_102 = tpu.memref_squeeze %dma_start3A_101 : memref<1x80xi32, #tpu.memory_space<vmem>> -> memref<80xi32, #tpu.memory_space<vmem>>
      %dma_start3A_103 = arith.constant 0 : i32
      %dma_start3A_104 = arith.constant 0 : i32
      %dma_start3A_105 = tpu.memref_slice %arg11[%dma_start3A_103, %dma_start3A_104] : memref<10240x16xf32, #tpu.memory_space<vmem_shared>> -> memref<10240x16xf32, #tpu.memory_space<vmem_shared>>
      tpu.enqueue_indirect_dma source(%dma_start3A_105 : memref<10240x16xf32, #tpu.memory_space<vmem_shared>>) target(%dma_start3A_99 : memref<80x16xf32, #tpu.memory_space<vmem>>) offsets(%dma_start3A_102 : memref<80xi32, #tpu.memory_space<vmem>>) semaphore(%arg12 : memref<!tpu.dma_semaphore, #tpu.memory_space<semaphore_mem>>)
    }
    %scan3A_13 = arith.constant 125 : i32
    %dma_wait3A = arith.constant 124 : i32
    %dma_wait3A_14 = arith.constant 0 : i32
    %dma_wait3A_15 = arith.constant 0 : i32
    %dma_wait3A_16 = tpu.memref_slice %arg9[%dma_wait3A_14, %dma_wait3A_15] : memref<320x16xf32, #tpu.memory_space<vmem>> -> memref<80x16xf32, #tpu.memory_space<vmem>>
    %dma_wait3A_17 = arith.constant 0 : i32
    %dma_wait3A_18 = tpu.memref_slice %arg8[%dma_wait3A, %dma_wait3A_17] : memref<125x80xi32, #tpu.memory_space<vmem>> -> memref<1x80xi32, #tpu.memory_space<vmem>>
    %dma_wait3A_19 = tpu.memref_squeeze %dma_wait3A_18 : memref<1x80xi32, #tpu.memory_space<vmem>> -> memref<80xi32, #tpu.memory_space<vmem>>
    %dma_wait3A_20 = arith.constant 0 : i32
    %dma_wait3A_21 = arith.constant 0 : i32
    %dma_wait3A_22 = tpu.memref_slice %arg10[%dma_wait3A_20, %dma_wait3A_21] : memref<10240x16xf32, #tpu.memory_space<vmem_shared>> -> memref<10240x16xf32, #tpu.memory_space<vmem_shared>>
    tpu.wait_indirect_dma semaphore(%arg13 : memref<!tpu.dma_semaphore, #tpu.memory_space<semaphore_mem>>) src(%dma_wait3A_16 : memref<80x16xf32, #tpu.memory_space<vmem>>) dst(%dma_wait3A_22 : memref<10240x16xf32, #tpu.memory_space<vmem_shared>>)
    %scan3A_23 = arith.constant 0 : i32
    %scan3A_24 = arith.constant 125 : i32
    %scan3A_25 = arith.constant 3 : i32
    %scan3A_26 = arith.addi %scan3A_24, %scan3A_25 : i32
    %scan3A_27 = arith.constant 1 : i32
    scf.for %scan3A_30 = %scan3A_24 to %scan3A_26 step %scan3A_27  : i32 {
      %jit3A = arith.constant 4 : i32
      %eq3A = arith.constant 0 : i32
      %eq3A_31 = arith.cmpi eq, %jit3A, %eq3A : i32
      %jit3A_32 = arith.constant 1 : i32
      %select_n3A = arith.select %eq3A_31, %jit3A_32, %jit3A : i32
      %rem3A = arith.remsi %scan3A_30, %select_n3A : i32
      %ne3A = arith.constant 0 : i32
      %ne3A_33 = arith.cmpi ne, %rem3A, %ne3A : i32
      %lt3A = arith.constant 0 : i32
      %lt3A_34 = arith.cmpi slt, %rem3A, %lt3A : i32
      %lt3A_35 = arith.constant 0 : i32
      %lt3A_36 = arith.cmpi slt, %select_n3A, %lt3A_35 : i32
      %ne3A_37 = arith.xori %lt3A_34, %lt3A_36 : i1
      %and3A = arith.andi %ne3A_37, %ne3A_33 : i1
      %add3A_38 = arith.addi %rem3A, %select_n3A : i32
      %select_n3A_39 = arith.select %and3A, %add3A_38, %rem3A : i32
      %mul3A_40 = arith.constant 80 : i32
      %mul3A_41 = arith.muli %select_n3A_39, %mul3A_40 : i32
      %dma_wait3A_42 = arith.constant 0 : i32
      %dma_wait3A_43 = tpu.memref_slice %arg9[%mul3A_41, %dma_wait3A_42] : memref<320x16xf32, #tpu.memory_space<vmem>> -> memref<80x16xf32, #tpu.memory_space<vmem>>
      %dma_wait3A_44 = arith.constant 0 : i32
      %dma_wait3A_45 = tpu.memref_slice %arg7[%scan3A_30, %dma_wait3A_44] : memref<128x80xi32, #tpu.memory_space<vmem>> -> memref<1x80xi32, #tpu.memory_space<vmem>>
      %dma_wait3A_46 = tpu.memref_squeeze %dma_wait3A_45 : memref<1x80xi32, #tpu.memory_space<vmem>> -> memref<80xi32, #tpu.memory_space<vmem>>
      %dma_wait3A_47 = arith.constant 0 : i32
      %dma_wait3A_48 = arith.constant 0 : i32
      %dma_wait3A_49 = tpu.memref_slice %arg11[%dma_wait3A_47, %dma_wait3A_48] : memref<10240x16xf32, #tpu.memory_space<vmem_shared>> -> memref<10240x16xf32, #tpu.memory_space<vmem_shared>>
      tpu.wait_indirect_dma semaphore(%arg12 : memref<!tpu.dma_semaphore, #tpu.memory_space<semaphore_mem>>) src(%dma_wait3A_49 : memref<10240x16xf32, #tpu.memory_space<vmem_shared>>) dst(%dma_wait3A_43 : memref<80x16xf32, #tpu.memory_space<vmem>>)
    }
    %scan3A_28 = arith.constant 3 : i32
    %barrier3A_29 = arith.constant 0 : index
    tpu.barrier barrier_id(%barrier3A_29)
    "tpu.region"() ({
      %run_scoped3A = tpu.sem_alloc : memref<!tpu.dma_semaphore, #tpu.memory_space<semaphore_mem>>
      %dma_start3A = arith.constant 0 : i32
      %dma_start3A_30 = arith.constant 0 : i32
      %dma_start3A_31 = tpu.memref_slice %arg6[%arg0, %dma_start3A, %dma_start3A_30] : memref<2x10240x16xf32, #tpu.memory_space<hbm>> -> memref<1x10240x16xf32, #tpu.memory_space<hbm>>
      %dma_start3A_32 = tpu.memref_squeeze %dma_start3A_31 : memref<1x10240x16xf32, #tpu.memory_space<hbm>> -> memref<10240x16xf32, #tpu.memory_space<hbm>>
      %dma_start3A_33 = arith.constant 0 : i32
      %dma_start3A_34 = tpu.memref_slice %dma_start3A_32[%mul3A_2, %dma_start3A_33] : memref<10240x16xf32, #tpu.memory_space<hbm>> -> memref<640x16xf32, #tpu.memory_space<hbm>>
      %dma_start3A_35 = arith.constant 0 : i32
      %dma_start3A_36 = tpu.memref_slice %arg10[%mul3A_2, %dma_start3A_35] : memref<10240x16xf32, #tpu.memory_space<vmem_shared>> -> memref<640x16xf32, #tpu.memory_space<vmem_shared>>
      tpu.enqueue_dma source(%dma_start3A_36 : memref<640x16xf32, #tpu.memory_space<vmem_shared>>) target(%dma_start3A_34 : memref<640x16xf32, #tpu.memory_space<hbm>>) target_semaphore(%run_scoped3A : memref<!tpu.dma_semaphore, #tpu.memory_space<semaphore_mem>>)
      %dma_wait3A_37 = arith.constant 0 : i32
      %dma_wait3A_38 = arith.constant 0 : i32
      %dma_wait3A_39 = tpu.memref_slice %arg6[%arg0, %dma_wait3A_37, %dma_wait3A_38] : memref<2x10240x16xf32, #tpu.memory_space<hbm>> -> memref<1x10240x16xf32, #tpu.memory_space<hbm>>
      %dma_wait3A_40 = tpu.memref_squeeze %dma_wait3A_39 : memref<1x10240x16xf32, #tpu.memory_space<hbm>> -> memref<10240x16xf32, #tpu.memory_space<hbm>>
      %dma_wait3A_41 = arith.constant 0 : i32
      %dma_wait3A_42 = tpu.memref_slice %dma_wait3A_40[%mul3A_2, %dma_wait3A_41] : memref<10240x16xf32, #tpu.memory_space<hbm>> -> memref<640x16xf32, #tpu.memory_space<hbm>>
      %dma_wait3A_43 = arith.constant 0 : i32
      %dma_wait3A_44 = tpu.memref_slice %arg10[%mul3A_2, %dma_wait3A_43] : memref<10240x16xf32, #tpu.memory_space<vmem_shared>> -> memref<640x16xf32, #tpu.memory_space<vmem_shared>>
      tpu.wait_dma2 semaphore(%run_scoped3A : memref<!tpu.dma_semaphore, #tpu.memory_space<semaphore_mem>>) src(%dma_wait3A_44 : memref<640x16xf32, #tpu.memory_space<vmem_shared>>) dst(%dma_wait3A_42 : memref<640x16xf32, #tpu.memory_space<hbm>>)
      tpu.yield
    }) : () -> ()
    return
  }
}

module attributes {stable_mosaic.version = 14 : i64} {
  func.func @body(%arg0: i32, %arg1: memref<2x2048x64xf32, #tpu.memory_space<vmem>>, %arg2: memref<128x256xf32, #tpu.memory_space<vmem>>, %arg3: memref<1x256xf32, #tpu.memory_space<vmem>>, %arg4: memref<256x16xf32, #tpu.memory_space<vmem>>, %arg5: memref<2048x16xf32, #tpu.memory_space<vmem>>) attributes {dimension_semantics = [#tpu.dimension_semantics<arbitrary>], iteration_bounds = array<i64: 5>, scalar_prefetch = 0 : i64, scratch_operands = 0 : i64, tpu.core_type = #tpu.core_type<tc>, window_params = [{transform_indices = @transform_0, window_bounds = array<i64: 2, 2048, 64>}, {pipeline_mode = #tpu.pipeline_mode<synchronous>, transform_indices = @transform_1, window_bounds = array<i64: 128, 256>}, {pipeline_mode = #tpu.pipeline_mode<synchronous>, transform_indices = @transform_2, window_bounds = array<i64: 1, 256>}, {pipeline_mode = #tpu.pipeline_mode<synchronous>, transform_indices = @transform_3, window_bounds = array<i64: 256, 16>}, {transform_indices = @transform_4, window_bounds = array<i64: 2048, 16>}]} {
    %get3A = arith.constant 0 : index
    %get3A_0 = arith.constant 0 : index
    %get3A_1 = arith.constant 0 : index
    %get3A_2 = vector.load %arg1[%get3A, %get3A_0, %get3A_1] : memref<2x2048x64xf32, #tpu.memory_space<vmem>>, vector<1x2048x64xf32>
    %get3A_3 = vector.shape_cast %get3A_2 : vector<1x2048x64xf32> to vector<2048x64xf32>
    %get3A_4 = arith.constant 1 : index
    %get3A_5 = arith.constant 0 : index
    %get3A_6 = arith.constant 0 : index
    %get3A_7 = vector.load %arg1[%get3A_4, %get3A_5, %get3A_6] : memref<2x2048x64xf32, #tpu.memory_space<vmem>>, vector<1x2048x64xf32>
    %get3A_8 = vector.shape_cast %get3A_7 : vector<1x2048x64xf32> to vector<2048x64xf32>
    %concatenate3A = tpu.concatenate %get3A_3, %get3A_8 in 1 : vector<2048x64xf32>, vector<2048x64xf32> -> vector<2048x128xf32>
    %get3A_9 = arith.constant 0 : index
    %get3A_10 = arith.constant 0 : index
    %get3A_11 = vector.load %arg2[%get3A_9, %get3A_10] : memref<128x256xf32, #tpu.memory_space<vmem>>, vector<128x256xf32>
    %dot_general3A = arith.constant dense<0.000000e+00> : vector<2048x256xf32>
    %dot_general3A_12 = tpu.matmul %concatenate3A, %get3A_11, %dot_general3A {dimension_numbers = #tpu.dot_dimension_numbers<[1], [0], [0], [1], [0, 0, 1, 1], [], []>, transpose_lhs_hint = false} : vector<2048x128xf32>, vector<128x256xf32>, vector<2048x256xf32> -> vector<2048x256xf32>
    %get3A_13 = arith.constant 0 : index
    %get3A_14 = arith.constant 0 : index
    %get3A_15 = vector.load %arg3[%get3A_13, %get3A_14] : memref<1x256xf32, #tpu.memory_space<vmem>>, vector<1x256xf32>
    %add3A = vector.broadcast %get3A_15 : vector<1x256xf32> to vector<2048x256xf32>
    %add3A_16 = arith.addf %dot_general3A_12, %add3A : vector<2048x256xf32>
    %max3A = arith.constant 0.000000e+00 : f32
    %max3A_17 = vector.broadcast %max3A : f32 to vector<2048x256xf32>
    %max3A_18 = arith.maximumf %add3A_16, %max3A_17 : vector<2048x256xf32>
    %get3A_19 = arith.constant 0 : index
    %get3A_20 = arith.constant 0 : index
    %get3A_21 = vector.load %arg4[%get3A_19, %get3A_20] : memref<256x16xf32, #tpu.memory_space<vmem>>, vector<256x16xf32>
    %dot_general3A_22 = arith.constant dense<0.000000e+00> : vector<2048x16xf32>
    %dot_general3A_23 = tpu.matmul %max3A_18, %get3A_21, %dot_general3A_22 {dimension_numbers = #tpu.dot_dimension_numbers<[1], [0], [0], [1], [0, 0, 1, 1], [], []>, transpose_lhs_hint = false} : vector<2048x256xf32>, vector<256x16xf32>, vector<2048x16xf32> -> vector<2048x16xf32>
    %swap3A = arith.constant 0 : index
    %swap3A_24 = arith.constant 0 : index
    %swap3A_25 = vector.load %arg5[%swap3A, %swap3A_24] : memref<2048x16xf32, #tpu.memory_space<vmem>>, vector<2048x16xf32>
    tpu.vector_store %arg5[%swap3A, %swap3A_24], %dot_general3A_23 {strides = array<i32>} : memref<2048x16xf32, #tpu.memory_space<vmem>>, vector<2048x16xf32>,
    return
  }
  func.func @transform_0(%arg0: i32) -> (i32, i32, i32) {
    %c0_i32 = arith.constant 0 : i32
    %c0_i32_0 = arith.constant 0 : i32
    %c0_i32_1 = arith.constant 0 : i32
    return %c0_i32, %arg0, %c0_i32_0 : i32, i32, i32
  }
  func.func @transform_1(%arg0: i32) -> (i32, i32) {
    %c0_i32 = arith.constant 0 : i32
    %c0_i32_0 = arith.constant 0 : i32
    %c0_i32_1 = arith.constant 0 : i32
    return %c0_i32, %c0_i32_0 : i32, i32
  }
  func.func @transform_2(%arg0: i32) -> (i32, i32) {
    %c0_i32 = arith.constant 0 : i32
    %c0_i32_0 = arith.constant 0 : i32
    %c0_i32_1 = arith.constant 0 : i32
    return %c0_i32, %c0_i32_0 : i32, i32
  }
  func.func @transform_3(%arg0: i32) -> (i32, i32) {
    %c0_i32 = arith.constant 0 : i32
    %c0_i32_0 = arith.constant 0 : i32
    %c0_i32_1 = arith.constant 0 : i32
    return %c0_i32, %c0_i32_0 : i32, i32
  }
  func.func @transform_4(%arg0: i32) -> (i32, i32) {
    %c0_i32 = arith.constant 0 : i32
    %c0_i32_0 = arith.constant 0 : i32
    return %arg0, %c0_i32 : i32, i32
  }
}

module attributes {stable_mosaic.version = 14 : i64} {
  func.func @body(%arg0: memref<2x10240x16xf32, #tpu.memory_space<vmem>>, %arg1: memref<10240x16xf32, #tpu.memory_space<vmem>>) attributes {dimension_semantics = [], scalar_prefetch = 0 : i64, scratch_operands = 0 : i64, tpu.core_type = #tpu.core_type<tc>} {
    %get3A = arith.constant 0 : index
    %get3A_0 = arith.constant 0 : index
    %get3A_1 = arith.constant 0 : index
    %get3A_2 = vector.load %arg0[%get3A, %get3A_0, %get3A_1] : memref<2x10240x16xf32, #tpu.memory_space<vmem>>, vector<1x10240x16xf32>
    %get3A_3 = vector.shape_cast %get3A_2 : vector<1x10240x16xf32> to vector<10240x16xf32>
    %get3A_4 = arith.constant 1 : index
    %get3A_5 = arith.constant 0 : index
    %get3A_6 = arith.constant 0 : index
    %get3A_7 = vector.load %arg0[%get3A_4, %get3A_5, %get3A_6] : memref<2x10240x16xf32, #tpu.memory_space<vmem>>, vector<1x10240x16xf32>
    %get3A_8 = vector.shape_cast %get3A_7 : vector<1x10240x16xf32> to vector<10240x16xf32>
    %add3A = arith.addf %get3A_3, %get3A_8 : vector<10240x16xf32>
    %swap3A = arith.constant 0 : index
    %swap3A_9 = arith.constant 0 : index
    %swap3A_10 = vector.load %arg1[%swap3A, %swap3A_9] : memref<10240x16xf32, #tpu.memory_space<vmem>>, vector<10240x16xf32>
    tpu.vector_store %arg1[%swap3A, %swap3A_9], %add3A {strides = array<i32>} : memref<10240x16xf32, #tpu.memory_space<vmem>>, vector<10240x16xf32>,
    return
  }
}

</mosaic_0001>

<sc_bundles>
// kernel: kernel.6.cloned.1.call-start
scs
__scs_entry_jumppad:
0x0: {  	(pc) =	sbr.rel $0x88, $3  }
0x1: {  	(tag) =	ssettag $0x0;
	lr =	simm.s32 $0x1  }
0x2: {  	[smem:$0x3F9B] =	sst lr;
	_ =	strace $0xD0000000  }
0x3: {  	_ = 	snop  }
0x4: {  	_ = 	snop  }
0x5: {  	_ = 	snop  }
0x6: {  	_ = 	snop  }
0x7: {  	_ = 	snop  }
__scs_overlays_trampoline_lowered:
0x8: {  	[smem:$0x3FAA] =	sst s0  }
0x9: {  	[smem:$0x3FAB] =	sst s1  }
0xa: {  	[smem:$0x3FAC] =	sst s2  }
0xb: {  	[smem:$0x3FAD] =	sst s3  }
0xc: {  	[smem:$0x3FAE] =	sst s4  }
0xd: {  	[smem:$0x3FAF] =	sst s5  }
0xe: {  	[smem:$0x3FB0] =	sst s6  }
0xf: {  	[smem:$0x3FB1] =	sst s7  }
0x10: {  	[smem:$0x3FB2] =	sst s8  }
0x11: {  	[smem:$0x3FB3] =	sst s9;
	s0 =	simm.s32 @!p0 $0x0  }
0x12: {  	s1 =	sld [smem:$0x3F99];
	s0 =	simm.s32 @p0 $0x1  }
0x13: {  	[smem:$0x3FB4] =	sst s0;
	s0 =	simm.s32 @!p1 $0x0  }
0x14: {  	s2 =	sld [smem:$0x3F98];
	s0 =	simm.s32 @p1 $0x1  }
0x15: {  	[smem:$0x3FB5] =	sst s0;
	s0 =	simm.s32 @!p2 $0x0  }
0x16: {  	s3 =	sld [smem:$0x3FDB];
	s0 =	simm.s32 @p2 $0x1  }
0x17: {  	s4 =	simm.s32 $0x1BF5;
	[smem:$0x3FB7] =	sst s0  }
0x18: {  	s0 =	sld [smem:$0x3F9A];
	_ =	swait.ge [sflag:s4], $0x0  }
0x19: {  	s7 =	sld [smem:$0x3F9B]  }
0x1a: {  	s8 =	sadd.s32 $0xFFFFE003, lr  }
0x1b: {  	s9 =	sadd.s32 $0xFFFFFEF7, lr;
	s5 =	simm.s32 $0xFFFFFFFF;
	p2 =	slt.u32 s8, $0xFFFFF086  }
0x1c: {  	p1 =	slt.u32 s9, $0xF7A;
	s5 =	simm.s32 @!p2 $0x0  }
0x1d: {  	s5 =	simm.s32 @p1 $0x1;
	p0 =	seq.s32 s7, s2  }
0x1e: {  	s7 =	smul.u32 @!p0 $0xF7A, s2;
	p2 =	seq.s32 @!p0 s5, $0x0  }
0x1f: {  	s9 =	smul.u32 $0xF7A, s1;
	s8 =	simm.s32 @!p0 $0x1BF5;
	p2 =	por !p2, p0  }
0x20: {  	[sflag:s8] =	ssyncset.s32 @!p0 $0xFFFFF086;
	s6 =	sadd.s32 @!p0 s3, s7;
	s7 =	simm.s32 @!p0 $0x108  }
0x21: {  	s3 =	sadd.s32 s3, s9;
	s6 =	sadd.s32 @!p0 $0x88, s6;
	s7 =	simm.s32 @p2 $0x1082  }
0x22: {  	[simem:s7], [sflag:s8] =	dma.local @!p0 [hbm:s6], $0xF7A  }
0x23: {  	s9 =	sor.u32 $0xD0000000, s2;
	s6 =	simm.s32 $0x108;
	_ =	swait.ge @!p0 [sflag:s8], $0x0  }
0x24: {  	s3 =	sadd.s32 $0x88, s3;
	s6 =	simm.s32 @!p1 $0x1082;
	[sflag:s4] =	ssyncset.s32 $0xFFFFF086  }
0x25: {  	[simem:s6], [sflag:s4] =	dma.local [hbm:s3], $0xF7A  }
0x26: {  	[smem:$0x3F9B] =	sst s1;
	(tag) =	ssettag s2;
	_ =	strace s9  }
0x27: {  	s1 =	sld [smem:$0x3FAB]  }
0x28: {  	s2 =	sld [smem:$0x3FAC]  }
0x29: {  	s4 =	sld [smem:$0x3FAE]  }
0x2a: {  	p0 =	seq.s32 s5, $0x0;
	s5 =	sld [smem:$0x3FAF]  }
0x2b: {  	s6 =	sld [smem:$0x3FB0]  }
0x2c: {  	s7 =	sld [smem:$0x3FB1]  }
0x2d: {  	s3 =	simm.s32 $0x108;
	s8 =	sld [smem:$0x3FB2]  }
0x2e: {  	s3 =	simm.s32 @!p0 $0x1082;
	s9 =	sld [smem:$0x3FB3]  }
0x2f: {  	lr =	sadd.s32 s0, s3;
	s0 =	sld [smem:$0x3FAA]  }
0x30: {  	s3 =	sld [smem:$0x3FAD]  }
0x31: {  	[smem:$0x3FB6] =	sst s10  }
0x32: {  	s10 =	sld [smem:$0x3FB4];
	_ =	sdelay $0x3  }
0x33: {  	p0 =	seq.s32 s10, $0x1;
	s10 =	sld [smem:$0x3FB6];
	_ =	sdelay $0x3  }
0x34: {  	[smem:$0x3FB6] =	sst s10  }
0x35: {  	s10 =	sld [smem:$0x3FB5];
	_ =	sdelay $0x3  }
0x36: {  	p1 =	seq.s32 s10, $0x1;
	s10 =	sld [smem:$0x3FB6];
	_ =	sdelay $0x3  }
0x37: {  	[smem:$0x3FB6] =	sst s10  }
0x38: {  	s10 =	sld [smem:$0x3FB7]  }
0x39: {  	_ = 	snop;
	(pc) =	sbr.ind lr, $3  }
0x3a: {  	_ = 	snop  }
0x3b: {  	_ = 	snop  }
0x3c: {  	p2 =	seq.s32 s10, $0x1;
	s10 =	sld [smem:$0x3FB6]  }
0x3d: {  	_ =	shalt  }
0x3e: {  	_ =	shalt  }
0x3f: {  	_ =	shalt  }
0x40: {  	_ =	shalt  }
0x41: {  	_ =	shalt  }
0x42: {  	_ =	shalt  }
0x43: {  	_ =	shalt  }
0x44: {  	_ =	shalt  }
0x45: {  	_ =	shalt  }
0x46: {  	_ =	shalt  }
0x47: {  	_ =	shalt  }
0x48: {  	_ =	shalt  }
0x49: {  	_ =	shalt  }
0x4a: {  	_ =	shalt  }
0x4b: {  	_ =	shalt  }
0x4c: {  	_ =	shalt  }
0x4d: {  	_ =	shalt  }
0x4e: {  	_ =	shalt  }
0x4f: {  	_ =	shalt  }
0x50: {  	_ =	shalt  }
0x51: {  	_ =	shalt  }
0x52: {  	_ =	shalt  }
0x53: {  	_ =	shalt  }
0x54: {  	_ =	shalt  }
0x55: {  	_ =	shalt  }
0x56: {  	_ =	shalt  }
0x57: {  	_ =	shalt  }
0x58: {  	_ =	shalt  }
0x59: {  	_ =	shalt  }
0x5a: {  	_ =	shalt  }
0x5b: {  	_ =	shalt  }
0x5c: {  	_ =	shalt  }
0x5d: {  	_ =	shalt  }
0x5e: {  	_ =	shalt  }
0x5f: {  	_ =	shalt  }
0x60: {  	_ =	shalt  }
0x61: {  	_ =	shalt  }
0x62: {  	_ =	shalt  }
0x63: {  	_ =	shalt  }
0x64: {  	_ =	shalt  }
0x65: {  	_ =	shalt  }
0x66: {  	_ =	shalt  }
0x67: {  	_ =	shalt  }
0x68: {  	_ =	shalt  }
0x69: {  	_ =	shalt  }
0x6a: {  	_ =	shalt  }
0x6b: {  	_ =	shalt  }
0x6c: {  	_ =	shalt  }
0x6d: {  	_ =	shalt  }
0x6e: {  	_ =	shalt  }
0x6f: {  	_ =	shalt  }
0x70: {  	_ =	shalt  }
0x71: {  	_ =	shalt  }
0x72: {  	_ =	shalt  }
0x73: {  	_ =	shalt  }
0x74: {  	_ =	shalt  }
0x75: {  	_ =	shalt  }
0x76: {  	_ =	shalt  }
0x77: {  	_ =	shalt  }
0x78: {  	_ =	shalt  }
0x79: {  	_ =	shalt  }
0x7a: {  	_ =	shalt  }
0x7b: {  	_ =	shalt  }
0x7c: {  	_ =	shalt  }
0x7d: {  	_ =	shalt  }
0x7e: {  	_ =	shalt  }
0x7f: {  	_ =	shalt  }
0x80: {  	_ =	shalt  }
0x81: {  	_ =	shalt  }
0x82: {  	_ =	shalt  }
0x83: {  	_ =	shalt  }
0x84: {  	_ =	shalt  }
0x85: {  	_ =	shalt  }
0x86: {  	_ =	shalt  }
0x87: {  	_ =	shalt  }
.Lfunc_end0:
.L_simem_size_0:
called_computation_lowered:
.L_overlay_start_0:
0x88: {  	s2 =	sld [smem:$0x3FD9]  }
0x89: {  	s3 =	sld [smem:$0x3FFE];
	_ =	sdelay $0x1  }
0x8a: {  	s1 =	srdreg.scid  }
0x8b: {  	s0 =	sand.u32 $0x1, s1  }
0x8c: {  	s16 =	sshll.u32 s0, $0xA;
	s2 =	sadd.s32 s3, s2  }
0x8d: {  	s2 =	sadd.s32 s2, s16  }
0x8e: {  	[smem:$0x3FC2] =	sst s2  }
0x8f: {  	_ = 	snop  }
0x90: {  	(tm) =	ssettm $0x1  }
0x91: {  	s17 =	sld [smem:$0x3FFB];
	_ =	sdelay $0x3  }
0x92: {  	_ =	strace s17  }
0x93: {  	s2 =	sld [smem:$0x3FFC];
	_ =	sdelay $0x3  }
0x94: {  	_ =	strace s2  }
0x95: {  	s2 =	sld [smem:$0x3FFD];
	_ =	sdelay $0x3  }
0x96: {  	_ =	strace s2  }
0x97: {  	_ =	strace $0x8FFFFFFF  }
0x98: {  	s18 =	sld [smem:$0x3FDB];
	_ =	sdelay $0x1  }
0x99: {  	s19 =	simm.s32 $_scs_section_size  }
0x9a: {  	s4 =	simm.s32 $_size__tile_overlayer_lowered;
	s5 =	simm.s32 $_tile_overlayer_lowered  }
0x9b: {  	s22 =	simm.s32 $0x1BFF;
	s21 =	sshll.u32 s5, $0x1;
	s2 =	sadd.s32 s19, s18  }
0x9c: {  	s6 =	simm.s32 $0x0;
	s20 =	sshll.u32 s4, $0x1;
	s4 =	sadd.s32 s21, s2  }
0x9d: {  	[timem:s6], [sflag:s22] =	dma.local [hbm:s4], s20  }
0x9e: {  	_ =	swait.ge [sflag:s22], s20  }
0x9f: {  	s3 =	ssub.s32 $0x0, s20;
	[sflag:s22] =	ssyncset.done $0x0  }
0xa0: {  	[sflag:s22] =	ssyncadd.s32 s3;
	_ =	sdelay $0x1  }
0xa1: {  	s23 =	simm.s32 $0x1B8B  }
0xa2: {  	_ =	swait.ge [sflag:s23], $0x1  }
0xa3: {  	[sflag:s23] =	ssyncset.done $0x0  }
0xa4: {  	s25 =	simm.s32 $0x1B8E;
	s24 =	sld [smem:$0x3FFE];
	[sflag:s23] =	ssyncadd.s32 $0xFFFFFFFF  }
0xa5: {  	s26 =	simm.s32 $execute0_lowered;
	[smem:$0x3FD2] =	sst s25  }
0xa6: {  	s4 =	sshll.u32 s26, $0x1;
	_ =	strace $0x80000046;
	[dreg:$0x1] =	wrdreg $0xFFFFFFFF  }
0xa7: {  	s28 =	simm.s32 $_size_execute0_lowered;
	s2 =	sadd.s32 s2, s4;
	[dreg:$0x0] =	wrdreg $0x0  }
0xa8: {  	s4 =	sshll.u32 s28, $0x1;
	[dreg:$0x2] =	wrdreg s2  }
0xa9: {  	[dreg:$0x3] =	wrdreg s4  }
0xaa: {  	[dreg:$0x4] =	wrdreg $0xC0  }
0xab: {  	_ =	task [dreg:s6], $0x5FFFF  }
0xac: {  	[dreg:$0x1] =	wrdreg $0xFFFFFFFF  }
0xad: {  	[dreg:$0x0] =	wrdreg $0x60  }
0xae: {  	[dreg:$0x2] =	wrdreg s24  }
0xaf: {  	[dreg:$0x3] =	wrdreg $0xED300  }
0xb0: {  	[dreg:$0x4] =	wrdreg $0x9  }
0xb1: {  	_ =	task.clear_ibuf [dreg:s6], $0x5FFFF;
	_ =	strace $0x90000046  }
0xb2: {  	s29 =	simm.s32 $0x9;
	_ =	strace $0x80000048  }
0xb3: {  	_ =	swait.ge [sflag:s29], $0x1  }
0xb4: {  	[sflag:s29] =	ssyncadd.s32 $0xFFFFFFFF  }
0xb5: {  	_ =	strace $0x90000048  }
0xb6: {  	_ =	sfence  }
0xb7: {  	s30 =	sld [smem:$0x0];
	_ =	sdelay $0x2  }
0xb8: {  	s31 =	sshll.u32 s1, $0xD;
	s1 =	sshrl.u32 s1, $0x2  }
0xb9: {  	s3 =	sand.u32 $0x4000, s31;
	s1 =	sadd.s32 s1, s30  }
0xba: {  	s0 =	sor.u32 s3, s0;
	s1 =	sshll.u32 s1, $0x11  }
0xbb: {  	s0 =	sor.u32 s1, s0  }
0xbc: {  	s0 =	sadd.s32 $0x8F2B, s0  }
0xbd: {  	[sflag:s0] =	ssyncadd.remote.s32 $0x1  }
0xbe: {  	_ =	sfence.sel $0xFFFF  }
0xbf: {  	[dreg:$0x0] =	wrdreg $0xFFFFFFFF;
	(pc) =	sbr.abs _section_cstart, $3  }
0xc0: {  	[dreg:$0x1] =	wrdreg $0xFFFFFFFF  }
0xc1: {  	_ =	task.clear_ibuf [dreg:s6], $0x2FFFF;
	_ =	strace $0x9FFFFFFF  }
0xc2: {  	(tm) =	ssettm $0x7FFFFFFF  }
0xc3: {  	_ =	shalt  }
tec
execute0_lowered:
.L_overlay_start_1:
0x0: {  	(tag) =	ssettag $0x1  }
0x1: {  	s4 =	rddreg [dreg:$0x0]  }
0x2: {  	s2 =	rddreg [dreg:$0x1];
	s0 =	stileid.u32  }
0x3: {  	s3 =	simm.s32 $0x0;
	s7 =	srdreg.scid;
	s14 =	simm.s32 $0x9D30  }
0x4: {  	s16 =	simm.s32 $0xA0;
	s17 =	simm.s32 $0xC530;
	s18 =	simm.s32 $0x1  }
0x5: {  	s19 =	simm.s32 $0xF0;
	s20 =	simm.s32 $0xD930;
	s5 =	smul.u32 $0x9E2, s0  }
0x6: {  	s21 =	simm.s32 $0x2;
	s6 =	smul.u32 $0x9C4, s0;
	[smem:$0x7FF] =	sst s3  }
0x7: {  	s8 =	smul.u32 $0xA000, s0;
	s7 =	sand.u32 $0x1, s7;
	s31 =	sshll.u32 s0, $0x6  }
0x8: {  	_ =	strace $0x80000047;
	s26 =	smul.u32 $0x14000, s7;
	s28 =	ssub.s32 $0x2, s7  }
0x9: {  	s9 =	sadd.s32 s5, s4;
	s10 =	sadd.s32 s6, s4;
	s22 =	sshrl.u32 s8, $0x3  }
0xa: {  	s30 =	sshrl.u32 s28, $0x1;
	s13 =	sadd.s32 s8, s2;
	s5 =	sor.u32 $0x1C03, s31  }
0xb: {  	s29 =	sadd.s32 s22, s4;
	s11 =	sadd.s32 s26, s4;
	s12 =	ssub.s32 s28, s30  }
0xc: {  	s6 =	sadd.s32 $0x32A00, s9;
	s7 =	sadd.s32 $0x28C00, s10;
	s10 =	sshrl.u32 s13, $0x3  }
0xd: {  	s13 =	simm.s32 $0x50;
	s4 =	sadd.s32 $0x3CA00, s29;
	s8 =	sadd.s32 $0xC00, s11  }
0xe: {  	s23 =	sadd.s32 $0x50A00, s11;
	s9 =	smax.u32 s12, $0x1;
	s11 =	simm.s32 $0x3  }
0xf: {  	s12 =	simm.s32 $0x4F10;
	s22 =	sadd.s32 s22, s23;
	s23 =	simm.s32 $0x0  }
.LBB2_1:
0x10: {  	[spmem:s10], [sflag:s5] =	dma.local [hbm:s4], $0x1400  }
0x11: {  	_ =	swait.ge [sflag:s11], $0x1400  }
0x12: {  	[sflag:s11] =	ssyncset.done $0x0  }
0x13: {  	[sflag:s11] =	ssyncadd.s32 $0xFFFFEC00  }
0x14: {  	[tilespmem:s3], [sflag:$0x3] =	stream.linear.gather [hbm4b:s6+s3], $0x4F10, $0x38;
	[tilespmem:$0x18D30] =	vst v63  }
0x15: {  	_ =	swait.ge [sflag:s11], $0x4F10  }
0x16: {  	[sflag:s11] =	ssyncset.done $0x0  }
0x17: {  	[sflag:s11] =	ssyncadd.s32 $0xFFFFB0F0  }
0x18: {  	[tilespmem:s12], [sflag:$0x3] =	stream.linear.gather [hbm4b:s7+s3], $0x4E20, $0x38;
	[tilespmem:$0x18D30] =	vst v63  }
0x19: {  	_ =	swait.ge [sflag:s11], $0x4E20  }
0x1a: {  	[sflag:s11] =	ssyncset.done $0x0  }
0x1b: {  	[sflag:s11] =	ssyncadd.s32 $0xFFFFB1E0  }
0x1c: {  	[bflag:$0x0] =	sbarrier.arrive $0xFFFF  }
0x1d: {  	[tilespmem:s14], [sflag:$0x1] =	stream.indirect.gather [hbm4b:s8+s13], $0x40, s3, s13, $0xb8;
	[tilespmem:$0x18D30] =	vst v63  }
0x1e: {  	s0 =	simm.s32 $0xB130  }
0x1f: {  	[tilespmem:s0], [sflag:$0x1] =	stream.indirect.gather [hbm4b:s8+s13], $0x40, s13, s13, $0xb8;
	[tilespmem:$0x18D30] =	vst v63  }
0x20: {  	_ = 	snop  }
0x21: {  	[tilespmem:s17], [sflag:$0x1] =	stream.indirect.gather [hbm4b:s8+s13], $0x40, s16, s13, $0xb8;
	[tilespmem:$0x18D30] =	vst v63  }
0x22: {  	_ =	swait.ge [sflag:s18], $0x1400  }
0x23: {  	s24 =	simm.s32 $0x1;
	[sflag:s18] =	ssyncset.done $0x0  }
0x24: {  	s24 =	sand.u32 $0x3, s24;
	[sflag:s18] =	ssyncadd.s32 $0xFFFFEC00  }
0x25: {  	[spmem:s2] =	stream.indirect.scatter.add.f32 [tilespmem:s14], [sflag:$0x2], $0x40, s12, s13, $0xb8;
	[tilespmem:$0x18D30] =	vst v63  }
0x26: {  	s26 =	simm.s32 $0x4;
	s25 =	simm.s32 $0x140;
	s28 =	smul.u32 $0x5000, s24  }
0x27: {  	[tilespmem:s20], [sflag:$0x1] =	stream.indirect.gather [hbm4b:s8+s13], $0x40, s19, s13, $0xb8;
	[tilespmem:$0x18D30] =	vst v63  }
0x28: {  	s30 =	simm.s32 $0x4F60;
	s29 =	simm.s32 $0x6;
	_ =	swait.ge [sflag:s18], $0x1400  }
0x29: {  	s31 =	simm.s32 $0x2;
	s28 =	sshrl.u32 s28, $0x2;
	[sflag:s18] =	ssyncset.done $0x0  }
0x2a: {  	s26 =	sand.u32 $0x3, s26;
	s28 =	sadd.s32 $0x9D30, s28;
	[sflag:s18] =	ssyncadd.s32 $0xFFFFEC00  }
0x2b: {  	[spmem:s2] =	stream.indirect.scatter.add.f32 [tilespmem:s28], [sflag:$0x2], $0x40, s30, s13, $0xb8;
	[tilespmem:$0x18D30] =	vst v63  }
0x2c: {  	s24 =	simm.s32 $0x5;
	s30 =	smul.u32 $0x5000, s26;
	_ =	swait.ge [sflag:s21], $0x1400  }
0x2d: {  	s28 =	simm.s32 $0x4FB0;
	s26 =	simm.s32 $0x190;
	[sflag:s21] =	ssyncset.done $0x0  }
.LBB2_2:
0x2e: {  	s31 =	sand.u32 $0x3, s31  }
0x2f: {  	s30 =	sshrl.u32 s30, $0x2;
	s0 =	smov.u32 s29;
	s1 =	sadd.s32 $0x1, s29  }
0x30: {  	s15 =	smov.u32 s25;
	s25 =	smov.u32 s26;
	p0 =	sne.s32 s29, $0xFC  }
0x31: {  	s31 =	smul.u32 $0x5000, s31;
	[sflag:s21] =	ssyncadd.s32 $0xFFFFEC00;
	s30 =	sadd.s32 $0x9D30, s30  }
0x32: {  	[tilespmem:s30], [sflag:$0x1] =	stream.indirect.gather [hbm4b:s8+s13], $0x40, s15, s13, $0xb8;
	[tilespmem:$0x18D30] =	vst v63  }
0x33: {  	s29 =	sand.u32 $0x3, s24;
	s15 =	sshrl.u32 s31, $0x2;
	_ =	swait.ge [sflag:s18], $0x1400  }
.Ltmp0:
0x34: {  	s15 =	sadd.s32 $0x9D30, s15;
	[sflag:s18] =	ssyncset.done $0x0;
	(pc) =	sbr.rel @p0 .LBB2_2-.Ltmp0, $4  }
0x35: {  	s26 =	sadd.s32 $0x50, s26;
	s24 =	smov.u32 s0;
	[sflag:s18] =	ssyncadd.s32 $0xFFFFEC00  }
0x36: {  	[spmem:s2] =	stream.indirect.scatter.add.f32 [tilespmem:s15], [sflag:$0x2], $0x40, s28, s13, $0xb8;
	[tilespmem:$0x18D30] =	vst v63  }
0x37: {  	s30 =	smul.u32 $0x5000, s29;
	s28 =	sadd.s32 $0x50, s28;
	_ =	swait.ge [sflag:s21], $0x1400  }
0x38: {  	s29 =	smov.u32 s1;
	s31 =	sadd.s32 $0xFFFFFFFD, s24;
	[sflag:s21] =	ssyncset.done $0x0  }
0x39: {  	s0 =	sand.u32 $0x3, s31;
	s1 =	sshrl.u32 s30, $0x2  }
0x3a: {  	[sflag:s21] =	ssyncadd.s32 $0xFFFFEC00;
	s0 =	smul.u32 $0x5000, s0;
	s1 =	sadd.s32 $0x9D30, s1  }
0x3b: {  	[tilespmem:s1], [sflag:$0x1] =	stream.indirect.gather [hbm4b:s8+s13], $0x40, s25, s13, $0xb8;
	[tilespmem:$0x18D30] =	vst v63  }
0x3c: {  	_ =	swait.ge [sflag:s18], $0x1400  }
0x3d: {  	s30 =	sand.u32 $0x3, s24;
	s0 =	sshrl.u32 s0, $0x2;
	[sflag:s18] =	ssyncset.done $0x0  }
0x3e: {  	s31 =	smul.u32 $0x5000, s30;
	s0 =	sadd.s32 $0x9D30, s0;
	[sflag:s18] =	ssyncadd.s32 $0xFFFFEC00  }
0x3f: {  	[spmem:s2] =	stream.indirect.scatter.add.f32 [tilespmem:s0], [sflag:$0x2], $0x40, s28, s13, $0xb8;
	[tilespmem:$0x18D30] =	vst v63  }
0x40: {  	_ =	swait.ge [sflag:s21], $0x1400  }
0x41: {  	s0 =	sshrl.u32 s31, $0x2;
	[sflag:s21] =	ssyncset.done $0x0  }
0x42: {  	s0 =	sadd.s32 $0x9D30, s0;
	[sflag:s21] =	ssyncadd.s32 $0xFFFFEC00  }
0x43: {  	[tilespmem:s0], [sflag:$0x1] =	stream.indirect.gather [hbm4b:s8+s13], $0x40, s26, s13, $0xb8;
	[tilespmem:$0x18D30] =	vst v63  }
0x44: {  	_ =	swait.ge [sflag:s21], $0x1400  }
0x45: {  	[sflag:s21] =	ssyncset.done $0x0  }
0x46: {  	[sflag:s21] =	ssyncadd.s32 $0xFFFFEC00  }
0x47: {  	_ =	swait.ge [sflag:s18], $0x1400  }
0x48: {  	[sflag:s18] =	ssyncset.done $0x0  }
0x49: {  	[sflag:s18] =	ssyncadd.s32 $0xFFFFEC00  }
0x4a: {  	_ =	swait.ge [sflag:s18], $0x1400  }
0x4b: {  	[sflag:s18] =	ssyncset.done $0x0  }
0x4c: {  	[sflag:s18] =	ssyncadd.s32 $0xFFFFEC00  }
0x4d: {  	_ =	swait.ge [sflag:s18], $0x1400  }
0x4e: {  	s23 =	sadd.s32 $0x1, s23;
	[sflag:s18] =	ssyncset.done $0x0  }
0x4f: {  	p0 =	sne.s32 s23, s9;
	[sflag:s18] =	ssyncadd.s32 $0xFFFFEC00  }
.Ltmp1:
0x50: {  	[bflag:$0x0] =	sbarrier.arrive $0xFFFF;
	(pc) =	sbr.rel @p0 .LBB2_1-.Ltmp1, $4  }
0x51: {  	[hbm:s22], [sflag:s5] =	dma.local [spmem:s10], $0x1400  }
0x52: {  	_ =	swait.ge [sflag:s11], $0x1400  }
0x53: {  	[sflag:s11] =	ssyncset.done $0x0  }
0x54: {  	[sflag:s11] =	ssyncadd.s32 $0xFFFFEC00  }
0x55: {  	_ =	sfence.sel $0x180000  }
0x56: {  	[bflag:$0x0] =	sbarrier.arrive $0xFFFF  }
0x57: {  	_ =	strace $0x90000047  }
0x58: {  	s0 =	stileid.u32;
	[bflag:$0x2] =	sbarrier.arrive $0xFFFF  }
0x59: {  	p0 =	sne.s32 s0, $0x0;
	s0 =	rddreg [dreg:$0x2]  }
0x5a: {  	s0 =	sadd.s32 @!p0 $0x100000, s0  }
0x5b: {  	[sflag:s0] =	ssyncadd.tile.s32 @!p0 $0x1;
	_ =	shalt  }
.Lfunc_end2:
_tile_overlayer_lowered:
.L_overlay_start_2:
0x5c: {  	(tag) =	ssettag $0x2  }
0x5d: {  	s0 =	rddreg [dreg:$0x0];
	s2 =	stileid.u32  }
0x5e: {  	s1 =	rddreg [dreg:$0x1];
	p0 =	sne.s32 s2, $0x0  }
0x5f: {  	s3 =	rddreg [dreg:$0x2];
	[bflag:$0x3] =	sbarrier.arrive $0xFFFF;
	s2 =	simm.s32 @!p0 $0x1C03  }
0x60: {  	[timem:s3], [sflag:s2] =	dma.local @!p0 [hbm:s0], s1  }
0x61: {  	s0 =	simm.s32 @!p0 $0x3  }
0x62: {  	_ =	swait.ge @!p0 [sflag:s0], s1  }
0x63: {  	s1 =	ssub.s32 @!p0 $0x0, s1;
	[sflag:s0] =	ssyncset.done @!p0 $0x0  }
0x64: {  	[sflag:s0] =	ssyncadd.s32 @!p0 s1  }
0x65: {  	[bflag:$0x3] =	sbarrier.arrive $0xFFFF  }
0x66: {  	_ =	shalt  }

// kernel: kernel.9.cloned.1.call-start
scs
__scs_entry_jumppad:
0x0: {  	(pc) =	sbr.rel $0x88, $3  }
0x1: {  	(tag) =	ssettag $0x0;
	lr =	simm.s32 $0x1  }
0x2: {  	[smem:$0x3F9B] =	sst lr;
	_ =	strace $0xD0000000  }
0x3: {  	_ = 	snop  }
0x4: {  	_ = 	snop  }
0x5: {  	_ = 	snop  }
0x6: {  	_ = 	snop  }
0x7: {  	_ = 	snop  }
__scs_overlays_trampoline_lowered:
0x8: {  	[smem:$0x3FAA] =	sst s0  }
0x9: {  	[smem:$0x3FAB] =	sst s1  }
0xa: {  	[smem:$0x3FAC] =	sst s2  }
0xb: {  	[smem:$0x3FAD] =	sst s3  }
0xc: {  	[smem:$0x3FAE] =	sst s4  }
0xd: {  	[smem:$0x3FAF] =	sst s5  }
0xe: {  	[smem:$0x3FB0] =	sst s6  }
0xf: {  	[smem:$0x3FB1] =	sst s7  }
0x10: {  	[smem:$0x3FB2] =	sst s8  }
0x11: {  	[smem:$0x3FB3] =	sst s9;
	s0 =	simm.s32 @!p0 $0x0  }
0x12: {  	s1 =	sld [smem:$0x3F99];
	s0 =	simm.s32 @p0 $0x1  }
0x13: {  	[smem:$0x3FB4] =	sst s0;
	s0 =	simm.s32 @!p1 $0x0  }
0x14: {  	s2 =	sld [smem:$0x3F98];
	s0 =	simm.s32 @p1 $0x1  }
0x15: {  	[smem:$0x3FB5] =	sst s0;
	s0 =	simm.s32 @!p2 $0x0  }
0x16: {  	s3 =	sld [smem:$0x3FDB];
	s0 =	simm.s32 @p2 $0x1  }
0x17: {  	s4 =	simm.s32 $0x1BF5;
	[smem:$0x3FB7] =	sst s0  }
0x18: {  	s0 =	sld [smem:$0x3F9A];
	_ =	swait.ge [sflag:s4], $0x0  }
0x19: {  	s7 =	sld [smem:$0x3F9B]  }
0x1a: {  	s8 =	sadd.s32 $0xFFFFE003, lr  }
0x1b: {  	s9 =	sadd.s32 $0xFFFFFEF7, lr;
	s5 =	simm.s32 $0xFFFFFFFF;
	p2 =	slt.u32 s8, $0xFFFFF086  }
0x1c: {  	p1 =	slt.u32 s9, $0xF7A;
	s5 =	simm.s32 @!p2 $0x0  }
0x1d: {  	s5 =	simm.s32 @p1 $0x1;
	p0 =	seq.s32 s7, s2  }
0x1e: {  	s7 =	smul.u32 @!p0 $0xF7A, s2;
	p2 =	seq.s32 @!p0 s5, $0x0  }
0x1f: {  	s9 =	smul.u32 $0xF7A, s1;
	s8 =	simm.s32 @!p0 $0x1BF5;
	p2 =	por !p2, p0  }
0x20: {  	[sflag:s8] =	ssyncset.s32 @!p0 $0xFFFFF086;
	s6 =	sadd.s32 @!p0 s3, s7;
	s7 =	simm.s32 @!p0 $0x108  }
0x21: {  	s3 =	sadd.s32 s3, s9;
	s6 =	sadd.s32 @!p0 $0x88, s6;
	s7 =	simm.s32 @p2 $0x1082  }
0x22: {  	[simem:s7], [sflag:s8] =	dma.local @!p0 [hbm:s6], $0xF7A  }
0x23: {  	s9 =	sor.u32 $0xD0000000, s2;
	s6 =	simm.s32 $0x108;
	_ =	swait.ge @!p0 [sflag:s8], $0x0  }
0x24: {  	s3 =	sadd.s32 $0x88, s3;
	s6 =	simm.s32 @!p1 $0x1082;
	[sflag:s4] =	ssyncset.s32 $0xFFFFF086  }
0x25: {  	[simem:s6], [sflag:s4] =	dma.local [hbm:s3], $0xF7A  }
0x26: {  	[smem:$0x3F9B] =	sst s1;
	(tag) =	ssettag s2;
	_ =	strace s9  }
0x27: {  	s1 =	sld [smem:$0x3FAB]  }
0x28: {  	s2 =	sld [smem:$0x3FAC]  }
0x29: {  	s4 =	sld [smem:$0x3FAE]  }
0x2a: {  	p0 =	seq.s32 s5, $0x0;
	s5 =	sld [smem:$0x3FAF]  }
0x2b: {  	s6 =	sld [smem:$0x3FB0]  }
0x2c: {  	s7 =	sld [smem:$0x3FB1]  }
0x2d: {  	s3 =	simm.s32 $0x108;
	s8 =	sld [smem:$0x3FB2]  }
0x2e: {  	s3 =	simm.s32 @!p0 $0x1082;
	s9 =	sld [smem:$0x3FB3]  }
0x2f: {  	lr =	sadd.s32 s0, s3;
	s0 =	sld [smem:$0x3FAA]  }
0x30: {  	s3 =	sld [smem:$0x3FAD]  }
0x31: {  	[smem:$0x3FB6] =	sst s10  }
0x32: {  	s10 =	sld [smem:$0x3FB4];
	_ =	sdelay $0x3  }
0x33: {  	p0 =	seq.s32 s10, $0x1;
	s10 =	sld [smem:$0x3FB6];
	_ =	sdelay $0x3  }
0x34: {  	[smem:$0x3FB6] =	sst s10  }
0x35: {  	s10 =	sld [smem:$0x3FB5];
	_ =	sdelay $0x3  }
0x36: {  	p1 =	seq.s32 s10, $0x1;
	s10 =	sld [smem:$0x3FB6];
	_ =	sdelay $0x3  }
0x37: {  	[smem:$0x3FB6] =	sst s10  }
0x38: {  	s10 =	sld [smem:$0x3FB7]  }
0x39: {  	_ = 	snop;
	(pc) =	sbr.ind lr, $3  }
0x3a: {  	_ = 	snop  }
0x3b: {  	_ = 	snop  }
0x3c: {  	p2 =	seq.s32 s10, $0x1;
	s10 =	sld [smem:$0x3FB6]  }
0x3d: {  	_ =	shalt  }
0x3e: {  	_ =	shalt  }
0x3f: {  	_ =	shalt  }
0x40: {  	_ =	shalt  }
0x41: {  	_ =	shalt  }
0x42: {  	_ =	shalt  }
0x43: {  	_ =	shalt  }
0x44: {  	_ =	shalt  }
0x45: {  	_ =	shalt  }
0x46: {  	_ =	shalt  }
0x47: {  	_ =	shalt  }
0x48: {  	_ =	shalt  }
0x49: {  	_ =	shalt  }
0x4a: {  	_ =	shalt  }
0x4b: {  	_ =	shalt  }
0x4c: {  	_ =	shalt  }
0x4d: {  	_ =	shalt  }
0x4e: {  	_ =	shalt  }
0x4f: {  	_ =	shalt  }
0x50: {  	_ =	shalt  }
0x51: {  	_ =	shalt  }
0x52: {  	_ =	shalt  }
0x53: {  	_ =	shalt  }
0x54: {  	_ =	shalt  }
0x55: {  	_ =	shalt  }
0x56: {  	_ =	shalt  }
0x57: {  	_ =	shalt  }
0x58: {  	_ =	shalt  }
0x59: {  	_ =	shalt  }
0x5a: {  	_ =	shalt  }
0x5b: {  	_ =	shalt  }
0x5c: {  	_ =	shalt  }
0x5d: {  	_ =	shalt  }
0x5e: {  	_ =	shalt  }
0x5f: {  	_ =	shalt  }
0x60: {  	_ =	shalt  }
0x61: {  	_ =	shalt  }
0x62: {  	_ =	shalt  }
0x63: {  	_ =	shalt  }
0x64: {  	_ =	shalt  }
0x65: {  	_ =	shalt  }
0x66: {  	_ =	shalt  }
0x67: {  	_ =	shalt  }
0x68: {  	_ =	shalt  }
0x69: {  	_ =	shalt  }
0x6a: {  	_ =	shalt  }
0x6b: {  	_ =	shalt  }
0x6c: {  	_ =	shalt  }
0x6d: {  	_ =	shalt  }
0x6e: {  	_ =	shalt  }
0x6f: {  	_ =	shalt  }
0x70: {  	_ =	shalt  }
0x71: {  	_ =	shalt  }
0x72: {  	_ =	shalt  }
0x73: {  	_ =	shalt  }
0x74: {  	_ =	shalt  }
0x75: {  	_ =	shalt  }
0x76: {  	_ =	shalt  }
0x77: {  	_ =	shalt  }
0x78: {  	_ =	shalt  }
0x79: {  	_ =	shalt  }
0x7a: {  	_ =	shalt  }
0x7b: {  	_ =	shalt  }
0x7c: {  	_ =	shalt  }
0x7d: {  	_ =	shalt  }
0x7e: {  	_ =	shalt  }
0x7f: {  	_ =	shalt  }
0x80: {  	_ =	shalt  }
0x81: {  	_ =	shalt  }
0x82: {  	_ =	shalt  }
0x83: {  	_ =	shalt  }
0x84: {  	_ =	shalt  }
0x85: {  	_ =	shalt  }
0x86: {  	_ =	shalt  }
0x87: {  	_ =	shalt  }
.Lfunc_end0:
.L_simem_size_0:
called_computation.1_lowered:
.L_overlay_start_0:
0x88: {  	s2 =	sld [smem:$0x3FD9]  }
0x89: {  	s3 =	sld [smem:$0x3FFE];
	_ =	sdelay $0x1  }
0x8a: {  	s1 =	srdreg.scid  }
0x8b: {  	s0 =	sand.u32 $0x1, s1  }
0x8c: {  	s16 =	sshll.u32 s0, $0xA;
	s2 =	sadd.s32 s3, s2  }
0x8d: {  	s2 =	sadd.s32 s2, s16  }
0x8e: {  	[smem:$0x3FC2] =	sst s2  }
0x8f: {  	_ = 	snop  }
0x90: {  	(tm) =	ssettm $0x1  }
0x91: {  	s17 =	sld [smem:$0x3FFB];
	_ =	sdelay $0x3  }
0x92: {  	_ =	strace s17  }
0x93: {  	s2 =	sld [smem:$0x3FFC];
	_ =	sdelay $0x3  }
0x94: {  	_ =	strace s2  }
0x95: {  	s2 =	sld [smem:$0x3FFD];
	_ =	sdelay $0x3  }
0x96: {  	_ =	strace s2  }
0x97: {  	_ =	strace $0x8FFFFFFF  }
0x98: {  	s18 =	sld [smem:$0x3FDB];
	_ =	sdelay $0x1  }
0x99: {  	s19 =	simm.s32 $_scs_section_size  }
0x9a: {  	s4 =	simm.s32 $_size__tile_overlayer_lowered;
	s5 =	simm.s32 $_tile_overlayer_lowered  }
0x9b: {  	s22 =	simm.s32 $0x1BFF;
	s21 =	sshll.u32 s5, $0x1;
	s2 =	sadd.s32 s19, s18  }
0x9c: {  	s6 =	simm.s32 $0x0;
	s20 =	sshll.u32 s4, $0x1;
	s4 =	sadd.s32 s21, s2  }
0x9d: {  	[timem:s6], [sflag:s22] =	dma.local [hbm:s4], s20  }
0x9e: {  	_ =	swait.ge [sflag:s22], s20  }
0x9f: {  	s3 =	ssub.s32 $0x0, s20;
	[sflag:s22] =	ssyncset.done $0x0  }
0xa0: {  	[sflag:s22] =	ssyncadd.s32 s3;
	_ =	sdelay $0x1  }
0xa1: {  	s23 =	simm.s32 $0x1B8B  }
0xa2: {  	_ =	swait.ge [sflag:s23], $0x1  }
0xa3: {  	[sflag:s23] =	ssyncset.done $0x0  }
0xa4: {  	s25 =	simm.s32 $0x1B8E;
	s24 =	sld [smem:$0x3FFE];
	[sflag:s23] =	ssyncadd.s32 $0xFFFFFFFF  }
0xa5: {  	s26 =	simm.s32 $execute0_lowered;
	[smem:$0x3FD2] =	sst s25  }
0xa6: {  	s4 =	sshll.u32 s26, $0x1;
	_ =	strace $0x80000049;
	[dreg:$0x1] =	wrdreg $0xFFFFFFFF  }
0xa7: {  	s28 =	simm.s32 $_size_execute0_lowered;
	s2 =	sadd.s32 s2, s4;
	[dreg:$0x0] =	wrdreg $0x0  }
0xa8: {  	s4 =	sshll.u32 s28, $0x1;
	[dreg:$0x2] =	wrdreg s2  }
0xa9: {  	[dreg:$0x3] =	wrdreg s4  }
0xaa: {  	[dreg:$0x4] =	wrdreg $0xC0  }
0xab: {  	_ =	task [dreg:s6], $0x5FFFF  }
0xac: {  	[dreg:$0x1] =	wrdreg $0xFFFFFFFF  }
0xad: {  	[dreg:$0x0] =	wrdreg $0x60  }
0xae: {  	[dreg:$0x2] =	wrdreg s24  }
0xaf: {  	[dreg:$0x3] =	wrdreg $0x8B100  }
0xb0: {  	[dreg:$0x4] =	wrdreg $0x63100  }
0xb1: {  	[dreg:$0x5] =	wrdreg $0x9  }
0xb2: {  	_ =	task.clear_ibuf [dreg:s6], $0x6FFFF;
	_ =	strace $0x90000049  }
0xb3: {  	s29 =	simm.s32 $0x9;
	_ =	strace $0x8000004B  }
0xb4: {  	_ =	swait.ge [sflag:s29], $0x1  }
0xb5: {  	[sflag:s29] =	ssyncadd.s32 $0xFFFFFFFF  }
0xb6: {  	_ =	strace $0x9000004B  }
0xb7: {  	_ =	sfence  }
0xb8: {  	s30 =	sld [smem:$0x0];
	_ =	sdelay $0x2  }
0xb9: {  	s31 =	sshll.u32 s1, $0xD;
	s1 =	sshrl.u32 s1, $0x2  }
0xba: {  	s3 =	sand.u32 $0x4000, s31;
	s1 =	sadd.s32 s1, s30  }
0xbb: {  	s0 =	sor.u32 s3, s0;
	s1 =	sshll.u32 s1, $0x11  }
0xbc: {  	s0 =	sor.u32 s1, s0  }
0xbd: {  	s0 =	sadd.s32 $0x8F2B, s0  }
0xbe: {  	[sflag:s0] =	ssyncadd.remote.s32 $0x1  }
0xbf: {  	_ =	sfence.sel $0xFFFF  }
0xc0: {  	[dreg:$0x0] =	wrdreg $0xFFFFFFFF;
	(pc) =	sbr.abs _section_cstart, $3  }
0xc1: {  	[dreg:$0x1] =	wrdreg $0xFFFFFFFF  }
0xc2: {  	_ =	task.clear_ibuf [dreg:s6], $0x2FFFF;
	_ =	strace $0x9FFFFFFF  }
0xc3: {  	(tm) =	ssettm $0x7FFFFFFF  }
tec
execute0_lowered:
.L_overlay_start_1:
0x0: {  	(tag) =	ssettag $0x1  }
0x1: {  	s0 =	rddreg [dreg:$0x0];
	s13 =	stileid.u32  }
0x2: {  	s1 =	srdreg.scid;
	s2 =	rddreg [dreg:$0x1]  }
0x3: {  	s3 =	rddreg [dreg:$0x2];
	s15 =	simm.s32 $0x50;
	s16 =	simm.s32 $0x4F10  }
0x4: {  	s20 =	simm.s32 $0x1;
	s21 =	simm.s32 $0xF0;
	s22 =	simm.s32 $0x5E10  }
0x5: {  	s23 =	simm.s32 $0x2;
	s25 =	simm.s32 $0x0;
	s1 =	sand.u32 $0x1, s1  }
0x6: {  	s4 =	sshll.u32 s13, $0x1;
	s7 =	smul.u32 $0x2800, s13;
	s30 =	sshll.u32 s13, $0x6  }
0x7: {  	s5 =	sor.u32 s1, s4;
	s4 =	simm.s32 $0x0;
	s8 =	smul.u32 $0x5000, s1  }
0x8: {  	s1 =	ssub.s32 $0x2, s1;
	s6 =	smul.u32 $0x500, s5;
	[smem:$0x7FF] =	sst s4  }
0x9: {  	s5 =	smul.u32 $0x4E2, s5;
	s24 =	sshrl.u32 s7, $0x3;
	s29 =	sshrl.u32 s1, $0x1  }
0xa: {  	s12 =	sadd.s32 s7, s2;
	s31 =	sadd.s32 s7, s3;
	_ =	strace $0x8000004A  }
0xb: {  	s9 =	sadd.s32 s24, s0;
	s1 =	ssub.s32 s1, s29;
	s13 =	sshrl.u32 s31, $0x3  }
0xc: {  	s10 =	sadd.s32 s6, s0;
	s11 =	sadd.s32 s5, s0;
	s0 =	sadd.s32 s8, s0  }
0xd: {  	s5 =	sadd.s32 $0xC00, s9;
	s6 =	sor.u32 $0x1C03, s30;
	s9 =	smax.u32 s1, $0x1  }
0xe: {  	s14 =	sadd.s32 $0x82A00, s0;
	s7 =	sadd.s32 $0x78A00, s10;
	s8 =	sadd.s32 $0x28C00, s11  }
0xf: {  	s0 =	sadd.s32 $0x5C00, s0;
	s10 =	sshrl.u32 s12, $0x3;
	s11 =	simm.s32 $0x3  }
0x10: {  	s12 =	sadd.s32 s24, s14;
	s14 =	simm.s32 $0x2800;
	s24 =	sadd.s32 s24, s0  }
.LBB2_1:
0x11: {  	[spmem:s10], [sflag:s6] =	dma.local [hbm:s5], $0x500  }
0x12: {  	_ =	swait.ge [sflag:s11], $0x500  }
0x13: {  	[sflag:s11] =	ssyncset.done $0x0  }
0x14: {  	[sflag:s11] =	ssyncadd.s32 $0xFFFFFB00  }
0x15: {  	[spmem:s13], [sflag:s6] =	dma.local [hbm:s12], $0x500  }
0x16: {  	_ =	swait.ge [sflag:s11], $0x500  }
0x17: {  	[sflag:s11] =	ssyncset.done $0x0  }
0x18: {  	[sflag:s11] =	ssyncadd.s32 $0xFFFFFB00  }
0x19: {  	[tilespmem:s4], [sflag:$0x3] =	stream.linear.gather [hbm4b:s7+s4], $0x2800, $0x38;
	[tilespmem:$0xB310] =	vst v63  }
0x1a: {  	_ =	swait.ge [sflag:s11], $0x2800  }
0x1b: {  	[sflag:s11] =	ssyncset.done $0x0  }
0x1c: {  	[sflag:s11] =	ssyncadd.s32 $0xFFFFD800  }
0x1d: {  	[tilespmem:s14], [sflag:$0x3] =	stream.linear.gather [hbm4b:s8+s4], $0x2710, $0x38;
	[tilespmem:$0xB310] =	vst v63  }
0x1e: {  	_ =	swait.ge [sflag:s11], $0x2710  }
0x1f: {  	[sflag:s11] =	ssyncset.done $0x0  }
0x20: {  	[sflag:s11] =	ssyncadd.s32 $0xFFFFD8F0  }
0x21: {  	[bflag:$0x0] =	sbarrier.arrive $0xFFFF  }
0x22: {  	[tilespmem:s16], [sflag:$0x1] =	stream.indirect.gather [spmem:s2], $0x10, s4, s15, $0xb8;
	[tilespmem:$0xB310] =	vst v63  }
0x23: {  	s0 =	simm.s32 $0x5410  }
0x24: {  	[tilespmem:s0], [sflag:$0x1] =	stream.indirect.gather [spmem:s2], $0x10, s15, s15, $0xb8;
	[tilespmem:$0xB310] =	vst v63  }
0x25: {  	s17 =	simm.s32 $0xA0;
	s1 =	simm.s32 $0x5910  }
0x26: {  	[tilespmem:s1], [sflag:$0x1] =	stream.indirect.gather [spmem:s2], $0x10, s17, s15, $0xb8;
	[tilespmem:$0xB310] =	vst v63  }
0x27: {  	_ =	swait.ge [sflag:s20], $0x500  }
0x28: {  	s18 =	simm.s32 $0x1;
	[sflag:s20] =	ssyncset.done $0x0  }
0x29: {  	s0 =	sand.u32 $0x3, s18;
	[sflag:s20] =	ssyncadd.s32 $0xFFFFFB00  }
0x2a: {  	[spmem:s3] =	stream.indirect.scatter.add.f32 [tilespmem:s16], [sflag:$0x2], $0x10, s14, s15, $0xb8;
	[tilespmem:$0xB310] =	vst v63  }
0x2b: {  	s19 =	simm.s32 $0x4;
	s28 =	simm.s32 $0x140;
	s0 =	smul.u32 $0x1400, s0  }
0x2c: {  	[tilespmem:s22], [sflag:$0x1] =	stream.indirect.gather [spmem:s2], $0x10, s21, s15, $0xb8;
	[tilespmem:$0xB310] =	vst v63  }
0x2d: {  	s29 =	simm.s32 $0x2850;
	s26 =	simm.s32 $0x5;
	_ =	swait.ge [sflag:s20], $0x500  }
0x2e: {  	s31 =	simm.s32 $0x6;
	s0 =	sshrl.u32 s0, $0x2;
	[sflag:s20] =	ssyncset.done $0x0  }
0x2f: {  	s1 =	sand.u32 $0x3, s19;
	s0 =	sadd.s32 $0x4F10, s0;
	[sflag:s20] =	ssyncadd.s32 $0xFFFFFB00  }
0x30: {  	[spmem:s3] =	stream.indirect.scatter.add.f32 [tilespmem:s0], [sflag:$0x2], $0x10, s29, s15, $0xb8;
	[tilespmem:$0xB310] =	vst v63  }
0x31: {  	s30 =	simm.s32 $0x28A0;
	s1 =	smul.u32 $0x1400, s1;
	_ =	swait.ge [sflag:s23], $0x500  }
0x32: {  	s0 =	simm.s32 $0x2;
	s29 =	simm.s32 $0x190;
	[sflag:s23] =	ssyncset.done $0x0  }
.LBB2_2:
0x33: {  	s0 =	sand.u32 $0x3, s0  }
0x34: {  	s1 =	sshrl.u32 s1, $0x2;
	s17 =	smov.u32 s31;
	s18 =	sadd.s32 $0x1, s31  }
0x35: {  	s19 =	smov.u32 s28;
	s28 =	smov.u32 s29;
	p0 =	sne.s32 s31, $0x7F  }
0x36: {  	s0 =	smul.u32 $0x1400, s0;
	[sflag:s23] =	ssyncadd.s32 $0xFFFFFB00;
	s1 =	sadd.s32 $0x4F10, s1  }
0x37: {  	[tilespmem:s1], [sflag:$0x1] =	stream.indirect.gather [spmem:s2], $0x10, s19, s15, $0xb8;
	[tilespmem:$0xB310] =	vst v63  }
0x38: {  	s29 =	sadd.s32 $0x50, s29;
	s0 =	sshrl.u32 s0, $0x2;
	_ =	swait.ge [sflag:s20], $0x500  }
.Ltmp0:
0x39: {  	s0 =	sadd.s32 $0x4F10, s0;
	[sflag:s20] =	ssyncset.done $0x0;
	(pc) =	sbr.rel @p0 .LBB2_2-.Ltmp0, $4  }
0x3a: {  	s1 =	sand.u32 $0x3, s26;
	s26 =	smov.u32 s17;
	[sflag:s20] =	ssyncadd.s32 $0xFFFFFB00  }
0x3b: {  	[spmem:s3] =	stream.indirect.scatter.add.f32 [tilespmem:s0], [sflag:$0x2], $0x10, s30, s15, $0xb8;
	[tilespmem:$0xB310] =	vst v63  }
0x3c: {  	s1 =	smul.u32 $0x1400, s1;
	s30 =	sadd.s32 $0x50, s30;
	_ =	swait.ge [sflag:s23], $0x500  }
0x3d: {  	s31 =	smov.u32 s18;
	s0 =	sadd.s32 $0xFFFFFFFD, s26;
	[sflag:s23] =	ssyncset.done $0x0  }
0x3e: {  	s0 =	sand.u32 $0x3, s0;
	s1 =	sshrl.u32 s1, $0x2  }
0x3f: {  	[sflag:s23] =	ssyncadd.s32 $0xFFFFFB00;
	s0 =	smul.u32 $0x1400, s0;
	s1 =	sadd.s32 $0x4F10, s1  }
0x40: {  	[tilespmem:s1], [sflag:$0x1] =	stream.indirect.gather [spmem:s2], $0x10, s28, s15, $0xb8;
	[tilespmem:$0xB310] =	vst v63  }
0x41: {  	_ =	swait.ge [sflag:s20], $0x500  }
0x42: {  	s28 =	sand.u32 $0x3, s26;
	s0 =	sshrl.u32 s0, $0x2;
	[sflag:s20] =	ssyncset.done $0x0  }
0x43: {  	s31 =	smul.u32 $0x1400, s28;
	s0 =	sadd.s32 $0x4F10, s0;
	[sflag:s20] =	ssyncadd.s32 $0xFFFFFB00  }
0x44: {  	[spmem:s3] =	stream.indirect.scatter.add.f32 [tilespmem:s0], [sflag:$0x2], $0x10, s30, s15, $0xb8;
	[tilespmem:$0xB310] =	vst v63  }
0x45: {  	_ =	swait.ge [sflag:s23], $0x500  }
0x46: {  	s0 =	sshrl.u32 s31, $0x2;
	[sflag:s23] =	ssyncset.done $0x0  }
0x47: {  	s0 =	sadd.s32 $0x4F10, s0;
	[sflag:s23] =	ssyncadd.s32 $0xFFFFFB00  }
0x48: {  	[tilespmem:s0], [sflag:$0x1] =	stream.indirect.gather [spmem:s2], $0x10, s29, s15, $0xb8;
	[tilespmem:$0xB310] =	vst v63  }
0x49: {  	_ =	swait.ge [sflag:s23], $0x500  }
0x4a: {  	[sflag:s23] =	ssyncset.done $0x0  }
0x4b: {  	[sflag:s23] =	ssyncadd.s32 $0xFFFFFB00  }
0x4c: {  	_ =	swait.ge [sflag:s20], $0x500  }
0x4d: {  	[sflag:s20] =	ssyncset.done $0x0  }
0x4e: {  	[sflag:s20] =	ssyncadd.s32 $0xFFFFFB00  }
0x4f: {  	_ =	swait.ge [sflag:s20], $0x500  }
0x50: {  	[sflag:s20] =	ssyncset.done $0x0  }
0x51: {  	[sflag:s20] =	ssyncadd.s32 $0xFFFFFB00  }
0x52: {  	_ =	swait.ge [sflag:s20], $0x500  }
0x53: {  	s25 =	sadd.s32 $0x1, s25;
	[sflag:s20] =	ssyncset.done $0x0  }
0x54: {  	p0 =	sne.s32 s25, s9;
	[sflag:s20] =	ssyncadd.s32 $0xFFFFFB00  }
.Ltmp1:
0x55: {  	[bflag:$0x0] =	sbarrier.arrive $0xFFFF;
	(pc) =	sbr.rel @p0 .LBB2_1-.Ltmp1, $4  }
0x56: {  	[hbm:s24], [sflag:s6] =	dma.local [spmem:s13], $0x500  }
0x57: {  	_ =	swait.ge [sflag:s11], $0x500  }
0x58: {  	[sflag:s11] =	ssyncset.done $0x0  }
0x59: {  	[sflag:s11] =	ssyncadd.s32 $0xFFFFFB00  }
0x5a: {  	_ =	sfence.sel $0x180000  }
0x5b: {  	[bflag:$0x0] =	sbarrier.arrive $0xFFFF  }
0x5c: {  	_ =	strace $0x9000004A  }
0x5d: {  	s0 =	stileid.u32;
	[bflag:$0x2] =	sbarrier.arrive $0xFFFF  }
0x5e: {  	p0 =	sne.s32 s0, $0x0;
	s0 =	rddreg [dreg:$0x3]  }
0x5f: {  	s0 =	sadd.s32 @!p0 $0x100000, s0  }
0x60: {  	[sflag:s0] =	ssyncadd.tile.s32 @!p0 $0x1;
	_ =	shalt  }
.Lfunc_end2:
_tile_overlayer_lowered:
.L_overlay_start_2:
0x61: {  	(tag) =	ssettag $0x2  }
0x62: {  	s0 =	rddreg [dreg:$0x0];
	s2 =	stileid.u32  }
0x63: {  	s1 =	rddreg [dreg:$0x1];
	p0 =	sne.s32 s2, $0x0  }
0x64: {  	s3 =	rddreg [dreg:$0x2];
	[bflag:$0x3] =	sbarrier.arrive $0xFFFF;
	s2 =	simm.s32 @!p0 $0x1C03  }
0x65: {  	[timem:s3], [sflag:s2] =	dma.local @!p0 [hbm:s0], s1  }
0x66: {  	s0 =	simm.s32 @!p0 $0x3  }
0x67: {  	_ =	swait.ge @!p0 [sflag:s0], s1  }
0x68: {  	s1 =	ssub.s32 @!p0 $0x0, s1;
	[sflag:s0] =	ssyncset.done @!p0 $0x0  }
0x69: {  	[sflag:s0] =	ssyncadd.s32 @!p0 s1  }
0x6a: {  	[bflag:$0x3] =	sbarrier.arrive $0xFFFF  }
0x6b: {  	_ =	shalt  }

</sc_bundles>
